<compile_context>
chip_gen: v7x
topology: tpu7x:2x2x1
jax: 0.10.2.dev20260603
libtpu: 0.0.44.dev20260713+nightly
codegen_flags: <defaults>
</compile_context>

<pallas_src>
import functools

import jax
import jax.numpy as jnp
from jax import lax
from jax.experimental import pallas as pl
from jax.experimental.pallas import tpu as pltpu
from jax.experimental.pallas import tpu_sc as plsc

_NC = 2
_NS = 16
_NW = _NC * _NS
_NQ = 4
_CH = 32
_RB = 2560


def _sc_mesh():
    return plsc.VectorSubcoreMesh(core_axis_name="c", subcore_axis_name="s")


def _sc_degree(dst2, zeros16, ones16, Kd):
    _, CH = dst2.shape
    PADN = zeros16.shape[0]

    @functools.partial(
        pl.kernel,
        mesh=_sc_mesh(),
        out_type=jax.ShapeDtypeStruct((_NC, PADN, 16), jnp.float32),
        scratch_types=[
            pltpu.VMEM((CH,), jnp.int32),
            pltpu.VMEM((CH, 16), jnp.float32),
            pltpu.VMEM_SHARED((PADN, 16), jnp.float32),
        ],
    )
    def deg_kernel(dst_hbm, zeros_hbm, ones_hbm, out_hbm, dstv, onesv, acc):
        c = lax.axis_index("c")
        s = lax.axis_index("s")
        wid = s * _NC + c
        pltpu.sync_copy(ones_hbm, onesv)

        @pl.when(s == 0)
        def _init():
            pltpu.sync_copy(zeros_hbm, acc)

        plsc.subcore_barrier()

        def step(g, carry):
            pltpu.sync_copy(dst_hbm.at[wid * Kd + g], dstv)
            pltpu.sync_copy(onesv, acc.at[dstv], add=True)
            return carry

        lax.fori_loop(0, Kd, step, 0)
        plsc.subcore_barrier()

        @pl.when(s == 0)
        def _out():
            pltpu.sync_copy(acc, out_hbm.at[c])

    return deg_kernel(dst2, zeros16, ones16)


def _sc_scatter(hs, src4, dst4, nchunk):
    PADN, D = hs.shape
    H4 = PADN // _NQ
    CH = src4.shape[-1]

    @functools.partial(
        pl.kernel,
        mesh=_sc_mesh(),
        out_type=jax.ShapeDtypeStruct((_NQ, H4, D), jnp.float32),
        scratch_types=[
            pltpu.VMEM((CH,), jnp.int32),
            pltpu.VMEM((CH,), jnp.int32),
            pltpu.VMEM((CH, D), jnp.float32),
            pltpu.VMEM_SHARED((H4, D), jnp.float32),
        ],
    )
    def scat_kernel(hs_hbm, src_hbm, dst_hbm, out_hbm, srcv, dstv, buf, acc):
        c = lax.axis_index("c")
        s = lax.axis_index("s")

        for q in range(2):
            wid = (c * 2 + q) * _NS + s

            @pl.when(s == 0)
            def _init():
                pltpu.sync_copy(hs_hbm.at[pl.ds((c * 2 + q) * H4, H4)], acc)

            plsc.subcore_barrier()

            def step(g, carry):
                pltpu.sync_copy(src_hbm.at[wid * nchunk + g], srcv)
                pltpu.sync_copy(dst_hbm.at[wid * nchunk + g], dstv)
                pltpu.sync_copy(hs_hbm.at[srcv], buf)
                pltpu.sync_copy(buf, acc.at[dstv], add=True)
                return carry

            lax.fori_loop(0, nchunk, step, 0)
            plsc.subcore_barrier()

            @pl.when(s == 0)
            def _out():
                pltpu.sync_copy(acc, out_hbm.at[c * 2 + q])

            plsc.subcore_barrier()

    return scat_kernel(hs, src4, dst4)


def _dsp_block(deg_ref):
    deg = deg_ref[0] + deg_ref[1]
    return lax.rsqrt(deg[:, :1] + 1.0)


def _tc_first(x_pad, W1, degp):
    PADN, D = x_pad.shape
    R = _RB

    def body(x_ref, w_ref, deg_ref, hs_ref):
        h = jnp.dot(x_ref[...], w_ref[...], preferred_element_type=jnp.float32)
        hs_ref[...] = h * _dsp_block(deg_ref)

    return pl.pallas_call(
        body,
        grid=(PADN // R,),
        in_specs=[
            pl.BlockSpec((R, D), lambda i: (i, 0)),
            pl.BlockSpec((D, D), lambda i: (0, 0)),
            pl.BlockSpec((2, R, 16), lambda i: (0, i, 0)),
        ],
        out_specs=pl.BlockSpec((R, D), lambda i: (i, 0)),
        out_shape=jax.ShapeDtypeStruct((PADN, D), jnp.float32),
    )(x_pad, W1, degp)


def _tc_mid(p, degp, b1r, W2, n_real):
    PADN, D = p.shape
    R = _RB

    def body(p_ref, deg_ref, b_ref, w_ref, o_ref):
        i = pl.program_id(0)
        dsp = _dsp_block(deg_ref)
        z = jnp.maximum(p_ref[...] * dsp + b_ref[...], 0.0)
        h2 = jnp.dot(z, w_ref[...], preferred_element_type=jnp.float32)
        hs2 = h2 * dsp
        rows = i * R + lax.broadcasted_iota(jnp.int32, (R, 1), 0)
        o_ref[...] = jnp.where(rows < n_real, hs2, 0.0)

    return pl.pallas_call(
        body,
        grid=(PADN // R,),
        in_specs=[
            pl.BlockSpec((R, D), lambda i: (i, 0)),
            pl.BlockSpec((2, R, 16), lambda i: (0, i, 0)),
            pl.BlockSpec((1, D), lambda i: (0, 0)),
            pl.BlockSpec((D, D), lambda i: (0, 0)),
        ],
        out_specs=pl.BlockSpec((R, D), lambda i: (i, 0)),
        out_shape=jax.ShapeDtypeStruct((PADN, D), jnp.float32),
    )(p, degp, b1r, W2)


def _tc_last(p, degp, b2r):
    PADN, D = p.shape
    R = _RB

    def body(p_ref, deg_ref, b_ref, out_ref):
        dsp = _dsp_block(deg_ref)
        out_ref[...] = p_ref[...] * dsp + b_ref[...]

    return pl.pallas_call(
        body,
        grid=(PADN // R,),
        in_specs=[
            pl.BlockSpec((R, D), lambda i: (i, 0)),
            pl.BlockSpec((2, R, 16), lambda i: (0, i, 0)),
            pl.BlockSpec((1, D), lambda i: (0, 0)),
        ],
        out_specs=pl.BlockSpec((R, D), lambda i: (i, 0)),
        out_shape=jax.ShapeDtypeStruct((PADN, D), jnp.float32),
    )(p, degp, b2r)


def kernel(x, edge_index, W1, b1, W2, b2):
    N, D = x.shape
    E = edge_index.shape[1]
    PADN = -(-(N + 1) // (_NQ * _RB)) * (_NQ * _RB)
    H4 = PADN // _NQ

    nchunk = -(-E // (_NS * _CH))
    Lr = _NS * nchunk * _CH
    src = edge_index[0].astype(jnp.int32)
    dst = edge_index[1].astype(jnp.int32)
    padn = jnp.full((Lr - E,), N, jnp.int32)
    padz = jnp.zeros((Lr - E,), jnp.int32)
    srcqs = []
    dstqs = []
    for Q in range(_NQ):
        inq = (dst >= Q * H4) & (dst < (Q + 1) * H4)
        srcqs.append(jnp.concatenate([jnp.where(inq, src, N), padn]))
        dstqs.append(jnp.concatenate([jnp.where(inq, dst - Q * H4, 0), padz]))
    src4 = jnp.stack(srcqs).reshape(_NQ * _NS * nchunk, _CH)
    dst4 = jnp.stack(dstqs).reshape(_NQ * _NS * nchunk, _CH)
    Kd = -(-E // (_NW * _CH))
    EPADd = _NW * Kd * _CH
    dst_pad = jnp.concatenate([dst, jnp.full((EPADd - E,), N, jnp.int32)])
    dst2d = dst_pad.reshape(_NW * Kd, _CH)

    x_pad = jnp.zeros((PADN, D), jnp.float32).at[:N].set(x)
    zeros16 = jnp.zeros((PADN, 16), jnp.float32)
    ones16 = jnp.ones((_CH, 16), jnp.float32)
    b1r = b1.reshape(1, D)
    b2r = b2.reshape(1, D)

    degp = _sc_degree(dst2d, zeros16, ones16, Kd)
    hs1 = _tc_first(x_pad, W1, degp)
    p1 = _sc_scatter(hs1, src4, dst4, nchunk).reshape(PADN, D)
    hs2 = _tc_mid(p1, degp, b1r, W2, N)
    p2 = _sc_scatter(hs2, src4, dst4, nchunk).reshape(PADN, D)
    out_pad = _tc_last(p2, degp, b2r)
    return out_pad[:N]

# --- scband reference (transcript-rebuilt; emitter-appended) ---
"""Pipeline reference for scband-gcn-18889266168413 (READ-ONLY COPY).

The authoritative reference and input builder live on the scoring server;
editing this copy changes nothing except your own understanding.
"""

import jax, jax.numpy as jnp
import numpy as np

N_NODES = 10000
N_EDGES = 320000
D = 128


def _gcn_conv(x, edge_index, W, b):
    N = x.shape[0]
    src = edge_index[0]
    dst = edge_index[1]
    # add self loops (GCNConv default add_self_loops=True)
    loop = jnp.arange(N, dtype=edge_index.dtype)
    src = jnp.concatenate([src, loop])
    dst = jnp.concatenate([dst, loop])
    # linear transform first (standard GCNConv order)
    h = x @ W
    # symmetric normalization D^{-1/2} A_hat D^{-1/2}
    deg = jnp.zeros((N,), dtype=h.dtype).at[dst].add(jnp.ones_like(dst, dtype=h.dtype))
    deg_inv_sqrt = jnp.where(deg > 0, jax.lax.rsqrt(deg), 0.0)
    norm = deg_inv_sqrt[src] * deg_inv_sqrt[dst]
    msgs = h[src] * norm[:, None]
    out = jnp.zeros_like(h).at[dst].add(msgs)
    return out + b


def setup_inputs(seed: int = 0) -> dict:
    key = jax.random.key(seed)
    k_x, k_e, k_w1, k_w2 = (jax.random.fold_in(key, i) for i in range(4))
    x = jax.random.normal(k_x, (N_NODES, D), dtype=jnp.float32)
    edge_index = jax.random.randint(k_e, (2, N_EDGES), 0, N_NODES, dtype=jnp.int64)
    W1 = jax.random.normal(k_w1, (D, D), dtype=jnp.float32) * (1.0 / np.sqrt(D))
    b1 = jnp.zeros((D,), dtype=jnp.float32)
    W2 = jax.random.normal(k_w2, (D, D), dtype=jnp.float32) * (1.0 / np.sqrt(D))
    b2 = jnp.zeros((D,), dtype=jnp.float32)
    return {"x": x, "edge_index": edge_index, "W1": W1, "b1": b1, "W2": W2, "b2": b2}


def reference(x, edge_index, W1, b1, W2, b2):
    h = _gcn_conv(x, edge_index, W1, b1)
    h = jax.nn.relu(h)
    out = _gcn_conv(h, edge_index, W2, b2)
    return out

if __name__ == "__main__":
    import jax
    _d = setup_inputs()
    print(jax.jit(kernel)(*tuple(_d.values())))

</pallas_src>

<mosaic_0001>
#map = affine_map<(d0, d1) -> (0, 0)>
#map1 = affine_map<(d0, d1) -> (0, 0, 0)>
module attributes {stable_mosaic.version = 14 : i64} {
  func.func @deg_kernel(%arg0: i32, %arg1: i32, %arg2: memref<10016x32xi32, #tpu.memory_space<hbm>>, %arg3: memref<10240x16xf32, #tpu.memory_space<hbm>>, %arg4: memref<32x16xf32, #tpu.memory_space<hbm>>, %arg5: memref<2x10240x16xf32, #tpu.memory_space<hbm>>, %arg6: memref<32xi32, #tpu.memory_space<vmem>>, %arg7: memref<32x16xf32, #tpu.memory_space<vmem>>, %arg8: memref<10240x16xf32, #tpu.memory_space<vmem_shared>>) attributes {dimension_semantics = [#tpu.dimension_semantics<core_parallel>, #tpu.dimension_semantics<subcore_parallel>], iteration_bounds = array<i64: 2, 16>, scalar_prefetch = 0 : i64, scratch_operands = 3 : i64, tpu.core_type = #tpu.core_type<sc_vector_subcore>, window_params = [{transform_indices = #map}, {transform_indices = #map}, {transform_indices = #map}, {transform_indices = #map1}]} {
    %mul3A = arith.constant 2 : i32
    %mul3A_0 = arith.muli %arg1, %mul3A : i32
    %add3A = arith.addi %mul3A_0, %arg0 : i32
    "tpu.region"() ({
      %run_scoped3A = tpu.sem_alloc : memref<!tpu.dma_semaphore, #tpu.memory_space<semaphore_mem>>
      tpu.enqueue_dma source(%arg4 : memref<32x16xf32, #tpu.memory_space<hbm>>) target(%arg7 : memref<32x16xf32, #tpu.memory_space<vmem>>) target_semaphore(%run_scoped3A : memref<!tpu.dma_semaphore, #tpu.memory_space<semaphore_mem>>)
      tpu.wait_dma2 semaphore(%run_scoped3A : memref<!tpu.dma_semaphore, #tpu.memory_space<semaphore_mem>>) src(%arg4 : memref<32x16xf32, #tpu.memory_space<hbm>>) dst(%arg7 : memref<32x16xf32, #tpu.memory_space<vmem>>)
      tpu.yield
    }) : () -> ()
    %eq3A = arith.constant 0 : i32
    %eq3A_1 = arith.cmpi eq, %arg1, %eq3A : i32
    %convert_element_type3A = arith.extui %eq3A_1 : i1 to i32
    %cond3A = arith.constant 0 : i32
    %cond3A_2 = arith.cmpi ne, %convert_element_type3A, %cond3A : i32
    scf.if %cond3A_2 {
      "tpu.region"() ({
        %run_scoped3A = tpu.sem_alloc : memref<!tpu.dma_semaphore, #tpu.memory_space<semaphore_mem>>
        tpu.enqueue_dma source(%arg3 : memref<10240x16xf32, #tpu.memory_space<hbm>>) target(%arg8 : memref<10240x16xf32, #tpu.memory_space<vmem_shared>>) target_semaphore(%run_scoped3A : memref<!tpu.dma_semaphore, #tpu.memory_space<semaphore_mem>>)
        tpu.wait_dma2 semaphore(%run_scoped3A : memref<!tpu.dma_semaphore, #tpu.memory_space<semaphore_mem>>) src(%arg3 : memref<10240x16xf32, #tpu.memory_space<hbm>>) dst(%arg8 : memref<10240x16xf32, #tpu.memory_space<vmem_shared>>)
        tpu.yield
      }) : () -> ()
    } else {
    }
    %barrier3A = arith.constant 0 : index
    tpu.barrier barrier_id(%barrier3A)
    %scan3A = arith.constant 0 : i32
    %scan3A_3 = arith.constant 0 : i32
    %scan3A_4 = arith.constant 313 : i32
    %scan3A_5 = arith.addi %scan3A_3, %scan3A_4 : i32
    %scan3A_6 = arith.constant 1 : i32
    scf.for %scan3A_14 = %scan3A_3 to %scan3A_5 step %scan3A_6  : i32 {
      %mul3A_15 = arith.constant 313 : i32
      %mul3A_16 = arith.muli %add3A, %mul3A_15 : i32
      %add3A_17 = arith.addi %mul3A_16, %scan3A_14 : i32
      "tpu.region"() ({
        %run_scoped3A = tpu.sem_alloc : memref<!tpu.dma_semaphore, #tpu.memory_space<semaphore_mem>>
        %dma_start3A = arith.constant 0 : i32
        %dma_start3A_18 = tpu.memref_slice %arg2[%add3A_17, %dma_start3A] : memref<10016x32xi32, #tpu.memory_space<hbm>> -> memref<1x32xi32, #tpu.memory_space<hbm>>
        %dma_start3A_19 = tpu.memref_squeeze %dma_start3A_18 : memref<1x32xi32, #tpu.memory_space<hbm>> -> memref<32xi32, #tpu.memory_space<hbm>>
        %dma_start3A_20 = arith.constant 0 : i32
        %dma_start3A_21 = tpu.memref_slice %arg2[%add3A_17, %dma_start3A_20] : memref<10016x32xi32, #tpu.memory_space<hbm>> -> memref<1x32xi32, #tpu.memory_space<hbm>>
        %dma_start3A_22 = tpu.memref_squeeze %dma_start3A_21 : memref<1x32xi32, #tpu.memory_space<hbm>> -> memref<32xi32, #tpu.memory_space<hbm>>
        tpu.enqueue_dma source(%dma_start3A_22 : memref<32xi32, #tpu.memory_space<hbm>>) target(%arg6 : memref<32xi32, #tpu.memory_space<vmem>>) target_semaphore(%run_scoped3A : memref<!tpu.dma_semaphore, #tpu.memory_space<semaphore_mem>>)
        %dma_wait3A = arith.constant 0 : i32
        %dma_wait3A_23 = tpu.memref_slice %arg2[%add3A_17, %dma_wait3A] : memref<10016x32xi32, #tpu.memory_space<hbm>> -> memref<1x32xi32, #tpu.memory_space<hbm>>
        %dma_wait3A_24 = tpu.memref_squeeze %dma_wait3A_23 : memref<1x32xi32, #tpu.memory_space<hbm>> -> memref<32xi32, #tpu.memory_space<hbm>>
        %dma_wait3A_25 = arith.constant 0 : i32
        %dma_wait3A_26 = tpu.memref_slice %arg2[%add3A_17, %dma_wait3A_25] : memref<10016x32xi32, #tpu.memory_space<hbm>> -> memref<1x32xi32, #tpu.memory_space<hbm>>
        %dma_wait3A_27 = tpu.memref_squeeze %dma_wait3A_26 : memref<1x32xi32, #tpu.memory_space<hbm>> -> memref<32xi32, #tpu.memory_space<hbm>>
        tpu.wait_dma2 semaphore(%run_scoped3A : memref<!tpu.dma_semaphore, #tpu.memory_space<semaphore_mem>>) src(%dma_wait3A_27 : memref<32xi32, #tpu.memory_space<hbm>>) dst(%arg6 : memref<32xi32, #tpu.memory_space<vmem>>)
        tpu.yield
      }) : () -> ()
      "tpu.region"() ({
        %run_scoped3A = tpu.sem_alloc : memref<!tpu.dma_semaphore, #tpu.memory_space<semaphore_mem>>
        %dma_start3A = arith.constant 0 : i32
        %dma_start3A_18 = arith.constant 0 : i32
        %dma_start3A_19 = tpu.memref_slice %arg8[%dma_start3A, %dma_start3A_18] : memref<10240x16xf32, #tpu.memory_space<vmem_shared>> -> memref<10240x16xf32, #tpu.memory_space<vmem_shared>>
        tpu.enqueue_indirect_dma source(%arg7 : memref<32x16xf32, #tpu.memory_space<vmem>>) target(%dma_start3A_19 : memref<10240x16xf32, #tpu.memory_space<vmem_shared>>) offsets(%arg6 : memref<32xi32, #tpu.memory_space<vmem>>) semaphore(%run_scoped3A : memref<!tpu.dma_semaphore, #tpu.memory_space<semaphore_mem>>) {add = true}
        %dma_wait3A = arith.constant 0 : i32
        %dma_wait3A_20 = arith.constant 0 : i32
        %dma_wait3A_21 = tpu.memref_slice %arg8[%dma_wait3A, %dma_wait3A_20] : memref<10240x16xf32, #tpu.memory_space<vmem_shared>> -> memref<10240x16xf32, #tpu.memory_space<vmem_shared>>
        tpu.wait_indirect_dma semaphore(%run_scoped3A : memref<!tpu.dma_semaphore, #tpu.memory_space<semaphore_mem>>) src(%arg7 : memref<32x16xf32, #tpu.memory_space<vmem>>) dst(%dma_wait3A_21 : memref<10240x16xf32, #tpu.memory_space<vmem_shared>>)
        tpu.yield
      }) : () -> ()
    }
    %scan3A_7 = arith.constant 313 : i32
    %barrier3A_8 = arith.constant 0 : index
    tpu.barrier barrier_id(%barrier3A_8)
    %eq3A_9 = arith.constant 0 : i32
    %eq3A_10 = arith.cmpi eq, %arg1, %eq3A_9 : i32
    %convert_element_type3A_11 = arith.extui %eq3A_10 : i1 to i32
    %cond3A_12 = arith.constant 0 : i32
    %cond3A_13 = arith.cmpi ne, %convert_element_type3A_11, %cond3A_12 : i32
    scf.if %cond3A_13 {
      "tpu.region"() ({
        %run_scoped3A = tpu.sem_alloc : memref<!tpu.dma_semaphore, #tpu.memory_space<semaphore_mem>>
        %dma_start3A = arith.constant 0 : i32
        %dma_start3A_14 = arith.constant 0 : i32
        %dma_start3A_15 = tpu.memref_slice %arg5[%arg0, %dma_start3A, %dma_start3A_14] : memref<2x10240x16xf32, #tpu.memory_space<hbm>> -> memref<1x10240x16xf32, #tpu.memory_space<hbm>>
        %dma_start3A_16 = tpu.memref_squeeze %dma_start3A_15 : memref<1x10240x16xf32, #tpu.memory_space<hbm>> -> memref<10240x16xf32, #tpu.memory_space<hbm>>
        tpu.enqueue_dma source(%arg8 : memref<10240x16xf32, #tpu.memory_space<vmem_shared>>) target(%dma_start3A_16 : memref<10240x16xf32, #tpu.memory_space<hbm>>) target_semaphore(%run_scoped3A : memref<!tpu.dma_semaphore, #tpu.memory_space<semaphore_mem>>)
        %dma_wait3A = arith.constant 0 : i32
        %dma_wait3A_17 = arith.constant 0 : i32
        %dma_wait3A_18 = tpu.memref_slice %arg5[%arg0, %dma_wait3A, %dma_wait3A_17] : memref<2x10240x16xf32, #tpu.memory_space<hbm>> -> memref<1x10240x16xf32, #tpu.memory_space<hbm>>
        %dma_wait3A_19 = tpu.memref_squeeze %dma_wait3A_18 : memref<1x10240x16xf32, #tpu.memory_space<hbm>> -> memref<10240x16xf32, #tpu.memory_space<hbm>>
        tpu.wait_dma2 semaphore(%run_scoped3A : memref<!tpu.dma_semaphore, #tpu.memory_space<semaphore_mem>>) src(%arg8 : memref<10240x16xf32, #tpu.memory_space<vmem_shared>>) dst(%dma_wait3A_19 : memref<10240x16xf32, #tpu.memory_space<hbm>>)
        tpu.yield
      }) : () -> ()
    } else {
    }
    return
  }
}

#map = affine_map<(d0, d1) -> (0, 0)>
#map1 = affine_map<(d0, d1) -> (0, 0, 0)>
module attributes {stable_mosaic.version = 14 : i64} {
  func.func @scat_kernel(%arg0: i32, %arg1: i32, %arg2: memref<10240x128xf32, #tpu.memory_space<hbm>>, %arg3: memref<40000x32xi32, #tpu.memory_space<hbm>>, %arg4: memref<40000x32xi32, #tpu.memory_space<hbm>>, %arg5: memref<4x2560x128xf32, #tpu.memory_space<hbm>>, %arg6: memref<32xi32, #tpu.memory_space<vmem>>, %arg7: memref<32xi32, #tpu.memory_space<vmem>>, %arg8: memref<32x128xf32, #tpu.memory_space<vmem>>, %arg9: memref<2560x128xf32, #tpu.memory_space<vmem_shared>>) attributes {dimension_semantics = [#tpu.dimension_semantics<core_parallel>, #tpu.dimension_semantics<subcore_parallel>], iteration_bounds = array<i64: 2, 16>, scalar_prefetch = 0 : i64, scratch_operands = 4 : i64, tpu.core_type = #tpu.core_type<sc_vector_subcore>, window_params = [{transform_indices = #map}, {transform_indices = #map}, {transform_indices = #map}, {transform_indices = #map1}]} {
    %mul3A = arith.constant 2 : i32
    %mul3A_0 = arith.muli %arg0, %mul3A : i32
    %add3A = arith.constant 0 : i32
    %add3A_1 = arith.addi %mul3A_0, %add3A : i32
    %mul3A_2 = arith.constant 16 : i32
    %mul3A_3 = arith.muli %add3A_1, %mul3A_2 : i32
    %add3A_4 = arith.addi %mul3A_3, %arg1 : i32
    %eq3A = arith.constant 0 : i32
    %eq3A_5 = arith.cmpi eq, %arg1, %eq3A : i32
    %convert_element_type3A = arith.extui %eq3A_5 : i1 to i32
    %cond3A = arith.constant 0 : i32
    %cond3A_6 = arith.cmpi ne, %convert_element_type3A, %cond3A : i32
    scf.if %cond3A_6 {
      %mul3A_45 = arith.constant 2 : i32
      %mul3A_46 = arith.muli %arg0, %mul3A_45 : i32
      %add3A_47 = arith.constant 0 : i32
      %add3A_48 = arith.addi %mul3A_46, %add3A_47 : i32
      %mul3A_49 = arith.constant 2560 : i32
      %mul3A_50 = arith.muli %add3A_48, %mul3A_49 : i32
      "tpu.region"() ({
        %run_scoped3A = tpu.sem_alloc : memref<!tpu.dma_semaphore, #tpu.memory_space<semaphore_mem>>
        %dma_start3A = arith.constant 0 : i32
        %dma_start3A_51 = tpu.memref_slice %arg2[%mul3A_50, %dma_start3A] : memref<10240x128xf32, #tpu.memory_space<hbm>> -> memref<2560x128xf32, #tpu.memory_space<hbm>>
        tpu.enqueue_dma source(%dma_start3A_51 : memref<2560x128xf32, #tpu.memory_space<hbm>>) target(%arg9 : memref<2560x128xf32, #tpu.memory_space<vmem_shared>>) target_semaphore(%run_scoped3A : memref<!tpu.dma_semaphore, #tpu.memory_space<semaphore_mem>>)
        %dma_wait3A = arith.constant 0 : i32
        %dma_wait3A_52 = tpu.memref_slice %arg2[%mul3A_50, %dma_wait3A] : memref<10240x128xf32, #tpu.memory_space<hbm>> -> memref<2560x128xf32, #tpu.memory_space<hbm>>
        tpu.wait_dma2 semaphore(%run_scoped3A : memref<!tpu.dma_semaphore, #tpu.memory_space<semaphore_mem>>) src(%dma_wait3A_52 : memref<2560x128xf32, #tpu.memory_space<hbm>>) dst(%arg9 : memref<2560x128xf32, #tpu.memory_space<vmem_shared>>)
        tpu.yield
      }) : () -> ()
    } else {
    }
    %barrier3A = arith.constant 0 : index
    tpu.barrier barrier_id(%barrier3A)
    %scan3A = arith.constant 0 : i32
    %scan3A_7 = arith.constant 0 : i32
    %scan3A_8 = arith.constant 625 : i32
    %scan3A_9 = arith.addi %scan3A_7, %scan3A_8 : i32
    %scan3A_10 = arith.constant 1 : i32
    scf.for %scan3A_45 = %scan3A_7 to %scan3A_9 step %scan3A_10  : i32 {
      %mul3A_46 = arith.constant 625 : i32
      %mul3A_47 = arith.muli %add3A_4, %mul3A_46 : i32
      %add3A_48 = arith.addi %mul3A_47, %scan3A_45 : i32
      "tpu.region"() ({
        %run_scoped3A = tpu.sem_alloc : memref<!tpu.dma_semaphore, #tpu.memory_space<semaphore_mem>>
        %dma_start3A = arith.constant 0 : i32
        %dma_start3A_52 = tpu.memref_slice %arg3[%add3A_48, %dma_start3A] : memref<40000x32xi32, #tpu.memory_space<hbm>> -> memref<1x32xi32, #tpu.memory_space<hbm>>
        %dma_start3A_53 = tpu.memref_squeeze %dma_start3A_52 : memref<1x32xi32, #tpu.memory_space<hbm>> -> memref<32xi32, #tpu.memory_space<hbm>>
        %dma_start3A_54 = arith.constant 0 : i32
        %dma_start3A_55 = tpu.memref_slice %arg3[%add3A_48, %dma_start3A_54] : memref<40000x32xi32, #tpu.memory_space<hbm>> -> memref<1x32xi32, #tpu.memory_space<hbm>>
        %dma_start3A_56 = tpu.memref_squeeze %dma_start3A_55 : memref<1x32xi32, #tpu.memory_space<hbm>> -> memref<32xi32, #tpu.memory_space<hbm>>
        tpu.enqueue_dma source(%dma_start3A_56 : memref<32xi32, #tpu.memory_space<hbm>>) target(%arg6 : memref<32xi32, #tpu.memory_space<vmem>>) target_semaphore(%run_scoped3A : memref<!tpu.dma_semaphore, #tpu.memory_space<semaphore_mem>>)
        %dma_wait3A = arith.constant 0 : i32
        %dma_wait3A_57 = tpu.memref_slice %arg3[%add3A_48, %dma_wait3A] : memref<40000x32xi32, #tpu.memory_space<hbm>> -> memref<1x32xi32, #tpu.memory_space<hbm>>
        %dma_wait3A_58 = tpu.memref_squeeze %dma_wait3A_57 : memref<1x32xi32, #tpu.memory_space<hbm>> -> memref<32xi32, #tpu.memory_space<hbm>>
        %dma_wait3A_59 = arith.constant 0 : i32
        %dma_wait3A_60 = tpu.memref_slice %arg3[%add3A_48, %dma_wait3A_59] : memref<40000x32xi32, #tpu.memory_space<hbm>> -> memref<1x32xi32, #tpu.memory_space<hbm>>
        %dma_wait3A_61 = tpu.memref_squeeze %dma_wait3A_60 : memref<1x32xi32, #tpu.memory_space<hbm>> -> memref<32xi32, #tpu.memory_space<hbm>>
        tpu.wait_dma2 semaphore(%run_scoped3A : memref<!tpu.dma_semaphore, #tpu.memory_space<semaphore_mem>>) src(%dma_wait3A_61 : memref<32xi32, #tpu.memory_space<hbm>>) dst(%arg6 : memref<32xi32, #tpu.memory_space<vmem>>)
        tpu.yield
      }) : () -> ()
      %mul3A_49 = arith.constant 625 : i32
      %mul3A_50 = arith.muli %add3A_4, %mul3A_49 : i32
      %add3A_51 = arith.addi %mul3A_50, %scan3A_45 : i32
      "tpu.region"() ({
        %run_scoped3A = tpu.sem_alloc : memref<!tpu.dma_semaphore, #tpu.memory_space<semaphore_mem>>
        %dma_start3A = arith.constant 0 : i32
        %dma_start3A_52 = tpu.memref_slice %arg4[%add3A_51, %dma_start3A] : memref<40000x32xi32, #tpu.memory_space<hbm>> -> memref<1x32xi32, #tpu.memory_space<hbm>>
        %dma_start3A_53 = tpu.memref_squeeze %dma_start3A_52 : memref<1x32xi32, #tpu.memory_space<hbm>> -> memref<32xi32, #tpu.memory_space<hbm>>
        %dma_start3A_54 = arith.constant 0 : i32
        %dma_start3A_55 = tpu.memref_slice %arg4[%add3A_51, %dma_start3A_54] : memref<40000x32xi32, #tpu.memory_space<hbm>> -> memref<1x32xi32, #tpu.memory_space<hbm>>
        %dma_start3A_56 = tpu.memref_squeeze %dma_start3A_55 : memref<1x32xi32, #tpu.memory_space<hbm>> -> memref<32xi32, #tpu.memory_space<hbm>>
        tpu.enqueue_dma source(%dma_start3A_56 : memref<32xi32, #tpu.memory_space<hbm>>) target(%arg7 : memref<32xi32, #tpu.memory_space<vmem>>) target_semaphore(%run_scoped3A : memref<!tpu.dma_semaphore, #tpu.memory_space<semaphore_mem>>)
        %dma_wait3A = arith.constant 0 : i32
        %dma_wait3A_57 = tpu.memref_slice %arg4[%add3A_51, %dma_wait3A] : memref<40000x32xi32, #tpu.memory_space<hbm>> -> memref<1x32xi32, #tpu.memory_space<hbm>>
        %dma_wait3A_58 = tpu.memref_squeeze %dma_wait3A_57 : memref<1x32xi32, #tpu.memory_space<hbm>> -> memref<32xi32, #tpu.memory_space<hbm>>
        %dma_wait3A_59 = arith.constant 0 : i32
        %dma_wait3A_60 = tpu.memref_slice %arg4[%add3A_51, %dma_wait3A_59] : memref<40000x32xi32, #tpu.memory_space<hbm>> -> memref<1x32xi32, #tpu.memory_space<hbm>>
        %dma_wait3A_61 = tpu.memref_squeeze %dma_wait3A_60 : memref<1x32xi32, #tpu.memory_space<hbm>> -> memref<32xi32, #tpu.memory_space<hbm>>
        tpu.wait_dma2 semaphore(%run_scoped3A : memref<!tpu.dma_semaphore, #tpu.memory_space<semaphore_mem>>) src(%dma_wait3A_61 : memref<32xi32, #tpu.memory_space<hbm>>) dst(%arg7 : memref<32xi32, #tpu.memory_space<vmem>>)
        tpu.yield
      }) : () -> ()
      "tpu.region"() ({
        %run_scoped3A = tpu.sem_alloc : memref<!tpu.dma_semaphore, #tpu.memory_space<semaphore_mem>>
        %dma_start3A = arith.constant 0 : i32
        %dma_start3A_52 = arith.constant 0 : i32
        %dma_start3A_53 = tpu.memref_slice %arg2[%dma_start3A, %dma_start3A_52] : memref<10240x128xf32, #tpu.memory_space<hbm>> -> memref<10240x128xf32, #tpu.memory_space<hbm>>
        tpu.enqueue_indirect_dma source(%dma_start3A_53 : memref<10240x128xf32, #tpu.memory_space<hbm>>) target(%arg8 : memref<32x128xf32, #tpu.memory_space<vmem>>) offsets(%arg6 : memref<32xi32, #tpu.memory_space<vmem>>) semaphore(%run_scoped3A : memref<!tpu.dma_semaphore, #tpu.memory_space<semaphore_mem>>)
        %dma_wait3A = arith.constant 0 : i32
        %dma_wait3A_54 = arith.constant 0 : i32
        %dma_wait3A_55 = tpu.memref_slice %arg2[%dma_wait3A, %dma_wait3A_54] : memref<10240x128xf32, #tpu.memory_space<hbm>> -> memref<10240x128xf32, #tpu.memory_space<hbm>>
        tpu.wait_indirect_dma semaphore(%run_scoped3A : memref<!tpu.dma_semaphore, #tpu.memory_space<semaphore_mem>>) src(%dma_wait3A_55 : memref<10240x128xf32, #tpu.memory_space<hbm>>) dst(%arg8 : memref<32x128xf32, #tpu.memory_space<vmem>>)
        tpu.yield
      }) : () -> ()
      "tpu.region"() ({
        %run_scoped3A = tpu.sem_alloc : memref<!tpu.dma_semaphore, #tpu.memory_space<semaphore_mem>>
        %dma_start3A = arith.constant 0 : i32
        %dma_start3A_52 = arith.constant 0 : i32
        %dma_start3A_53 = tpu.memref_slice %arg9[%dma_start3A, %dma_start3A_52] : memref<2560x128xf32, #tpu.memory_space<vmem_shared>> -> memref<2560x128xf32, #tpu.memory_space<vmem_shared>>
        tpu.enqueue_indirect_dma source(%arg8 : memref<32x128xf32, #tpu.memory_space<vmem>>) target(%dma_start3A_53 : memref<2560x128xf32, #tpu.memory_space<vmem_shared>>) offsets(%arg7 : memref<32xi32, #tpu.memory_space<vmem>>) semaphore(%run_scoped3A : memref<!tpu.dma_semaphore, #tpu.memory_space<semaphore_mem>>) {add = true}
        %dma_wait3A = arith.constant 0 : i32
        %dma_wait3A_54 = arith.constant 0 : i32
        %dma_wait3A_55 = tpu.memref_slice %arg9[%dma_wait3A, %dma_wait3A_54] : memref<2560x128xf32, #tpu.memory_space<vmem_shared>> -> memref<2560x128xf32, #tpu.memory_space<vmem_shared>>
        tpu.wait_indirect_dma semaphore(%run_scoped3A : memref<!tpu.dma_semaphore, #tpu.memory_space<semaphore_mem>>) src(%arg8 : memref<32x128xf32, #tpu.memory_space<vmem>>) dst(%dma_wait3A_55 : memref<2560x128xf32, #tpu.memory_space<vmem_shared>>)
        tpu.yield
      }) : () -> ()
    }
    %scan3A_11 = arith.constant 625 : i32
    %barrier3A_12 = arith.constant 0 : index
    tpu.barrier barrier_id(%barrier3A_12)
    %eq3A_13 = arith.constant 0 : i32
    %eq3A_14 = arith.cmpi eq, %arg1, %eq3A_13 : i32
    %convert_element_type3A_15 = arith.extui %eq3A_14 : i1 to i32
    %cond3A_16 = arith.constant 0 : i32
    %cond3A_17 = arith.cmpi ne, %convert_element_type3A_15, %cond3A_16 : i32
    scf.if %cond3A_17 {
      %mul3A_45 = arith.constant 2 : i32
      %mul3A_46 = arith.muli %arg0, %mul3A_45 : i32
      %add3A_47 = arith.constant 0 : i32
      %add3A_48 = arith.addi %mul3A_46, %add3A_47 : i32
      "tpu.region"() ({
        %run_scoped3A = tpu.sem_alloc : memref<!tpu.dma_semaphore, #tpu.memory_space<semaphore_mem>>
        %dma_start3A = arith.constant 0 : i32
        %dma_start3A_49 = arith.constant 0 : i32
        %dma_start3A_50 = tpu.memref_slice %arg5[%add3A_48, %dma_start3A, %dma_start3A_49] : memref<4x2560x128xf32, #tpu.memory_space<hbm>> -> memref<1x2560x128xf32, #tpu.memory_space<hbm>>
        %dma_start3A_51 = tpu.memref_squeeze %dma_start3A_50 : memref<1x2560x128xf32, #tpu.memory_space<hbm>> -> memref<2560x128xf32, #tpu.memory_space<hbm>>
        tpu.enqueue_dma source(%arg9 : memref<2560x128xf32, #tpu.memory_space<vmem_shared>>) target(%dma_start3A_51 : memref<2560x128xf32, #tpu.memory_space<hbm>>) target_semaphore(%run_scoped3A : memref<!tpu.dma_semaphore, #tpu.memory_space<semaphore_mem>>)
        %dma_wait3A = arith.constant 0 : i32
        %dma_wait3A_52 = arith.constant 0 : i32
        %dma_wait3A_53 = tpu.memref_slice %arg5[%add3A_48, %dma_wait3A, %dma_wait3A_52] : memref<4x2560x128xf32, #tpu.memory_space<hbm>> -> memref<1x2560x128xf32, #tpu.memory_space<hbm>>
        %dma_wait3A_54 = tpu.memref_squeeze %dma_wait3A_53 : memref<1x2560x128xf32, #tpu.memory_space<hbm>> -> memref<2560x128xf32, #tpu.memory_space<hbm>>
        tpu.wait_dma2 semaphore(%run_scoped3A : memref<!tpu.dma_semaphore, #tpu.memory_space<semaphore_mem>>) src(%arg9 : memref<2560x128xf32, #tpu.memory_space<vmem_shared>>) dst(%dma_wait3A_54 : memref<2560x128xf32, #tpu.memory_space<hbm>>)
        tpu.yield
      }) : () -> ()
    } else {
    }
    %barrier3A_18 = arith.constant 0 : index
    tpu.barrier barrier_id(%barrier3A_18)
    %mul3A_19 = arith.constant 2 : i32
    %mul3A_20 = arith.muli %arg0, %mul3A_19 : i32
    %add3A_21 = arith.constant 1 : i32
    %add3A_22 = arith.addi %mul3A_20, %add3A_21 : i32
    %mul3A_23 = arith.constant 16 : i32
    %mul3A_24 = arith.muli %add3A_22, %mul3A_23 : i32
    %add3A_25 = arith.addi %mul3A_24, %arg1 : i32
    %eq3A_26 = arith.constant 0 : i32
    %eq3A_27 = arith.cmpi eq, %arg1, %eq3A_26 : i32
    %convert_element_type3A_28 = arith.extui %eq3A_27 : i1 to i32
    %cond3A_29 = arith.constant 0 : i32
    %cond3A_30 = arith.cmpi ne, %convert_element_type3A_28, %cond3A_29 : i32
    scf.if %cond3A_30 {
      %mul3A_45 = arith.constant 2 : i32
      %mul3A_46 = arith.muli %arg0, %mul3A_45 : i32
      %add3A_47 = arith.constant 1 : i32
      %add3A_48 = arith.addi %mul3A_46, %add3A_47 : i32
      %mul3A_49 = arith.constant 2560 : i32
      %mul3A_50 = arith.muli %add3A_48, %mul3A_49 : i32
      "tpu.region"() ({
        %run_scoped3A = tpu.sem_alloc : memref<!tpu.dma_semaphore, #tpu.memory_space<semaphore_mem>>
        %dma_start3A = arith.constant 0 : i32
        %dma_start3A_51 = tpu.memref_slice %arg2[%mul3A_50, %dma_start3A] : memref<10240x128xf32, #tpu.memory_space<hbm>> -> memref<2560x128xf32, #tpu.memory_space<hbm>>
        tpu.enqueue_dma source(%dma_start3A_51 : memref<2560x128xf32, #tpu.memory_space<hbm>>) target(%arg9 : memref<2560x128xf32, #tpu.memory_space<vmem_shared>>) target_semaphore(%run_scoped3A : memref<!tpu.dma_semaphore, #tpu.memory_space<semaphore_mem>>)
        %dma_wait3A = arith.constant 0 : i32
        %dma_wait3A_52 = tpu.memref_slice %arg2[%mul3A_50, %dma_wait3A] : memref<10240x128xf32, #tpu.memory_space<hbm>> -> memref<2560x128xf32, #tpu.memory_space<hbm>>
        tpu.wait_dma2 semaphore(%run_scoped3A : memref<!tpu.dma_semaphore, #tpu.memory_space<semaphore_mem>>) src(%dma_wait3A_52 : memref<2560x128xf32, #tpu.memory_space<hbm>>) dst(%arg9 : memref<2560x128xf32, #tpu.memory_space<vmem_shared>>)
        tpu.yield
      }) : () -> ()
    } else {
    }
    %barrier3A_31 = arith.constant 0 : index
    tpu.barrier barrier_id(%barrier3A_31)
    %scan3A_32 = arith.constant 0 : i32
    %scan3A_33 = arith.constant 0 : i32
    %scan3A_34 = arith.constant 625 : i32
    %scan3A_35 = arith.addi %scan3A_33, %scan3A_34 : i32
    %scan3A_36 = arith.constant 1 : i32
    scf.for %scan3A_45 = %scan3A_33 to %scan3A_35 step %scan3A_36  : i32 {
      %mul3A_46 = arith.constant 625 : i32
      %mul3A_47 = arith.muli %add3A_25, %mul3A_46 : i32
      %add3A_48 = arith.addi %mul3A_47, %scan3A_45 : i32
      "tpu.region"() ({
        %run_scoped3A = tpu.sem_alloc : memref<!tpu.dma_semaphore, #tpu.memory_space<semaphore_mem>>
        %dma_start3A = arith.constant 0 : i32
        %dma_start3A_52 = tpu.memref_slice %arg3[%add3A_48, %dma_start3A] : memref<40000x32xi32, #tpu.memory_space<hbm>> -> memref<1x32xi32, #tpu.memory_space<hbm>>
        %dma_start3A_53 = tpu.memref_squeeze %dma_start3A_52 : memref<1x32xi32, #tpu.memory_space<hbm>> -> memref<32xi32, #tpu.memory_space<hbm>>
        %dma_start3A_54 = arith.constant 0 : i32
        %dma_start3A_55 = tpu.memref_slice %arg3[%add3A_48, %dma_start3A_54] : memref<40000x32xi32, #tpu.memory_space<hbm>> -> memref<1x32xi32, #tpu.memory_space<hbm>>
        %dma_start3A_56 = tpu.memref_squeeze %dma_start3A_55 : memref<1x32xi32, #tpu.memory_space<hbm>> -> memref<32xi32, #tpu.memory_space<hbm>>
        tpu.enqueue_dma source(%dma_start3A_56 : memref<32xi32, #tpu.memory_space<hbm>>) target(%arg6 : memref<32xi32, #tpu.memory_space<vmem>>) target_semaphore(%run_scoped3A : memref<!tpu.dma_semaphore, #tpu.memory_space<semaphore_mem>>)
        %dma_wait3A = arith.constant 0 : i32
        %dma_wait3A_57 = tpu.memref_slice %arg3[%add3A_48, %dma_wait3A] : memref<40000x32xi32, #tpu.memory_space<hbm>> -> memref<1x32xi32, #tpu.memory_space<hbm>>
        %dma_wait3A_58 = tpu.memref_squeeze %dma_wait3A_57 : memref<1x32xi32, #tpu.memory_space<hbm>> -> memref<32xi32, #tpu.memory_space<hbm>>
        %dma_wait3A_59 = arith.constant 0 : i32
        %dma_wait3A_60 = tpu.memref_slice %arg3[%add3A_48, %dma_wait3A_59] : memref<40000x32xi32, #tpu.memory_space<hbm>> -> memref<1x32xi32, #tpu.memory_space<hbm>>
        %dma_wait3A_61 = tpu.memref_squeeze %dma_wait3A_60 : memref<1x32xi32, #tpu.memory_space<hbm>> -> memref<32xi32, #tpu.memory_space<hbm>>
        tpu.wait_dma2 semaphore(%run_scoped3A : memref<!tpu.dma_semaphore, #tpu.memory_space<semaphore_mem>>) src(%dma_wait3A_61 : memref<32xi32, #tpu.memory_space<hbm>>) dst(%arg6 : memref<32xi32, #tpu.memory_space<vmem>>)
        tpu.yield
      }) : () -> ()
      %mul3A_49 = arith.constant 625 : i32
      %mul3A_50 = arith.muli %add3A_25, %mul3A_49 : i32
      %add3A_51 = arith.addi %mul3A_50, %scan3A_45 : i32
      "tpu.region"() ({
        %run_scoped3A = tpu.sem_alloc : memref<!tpu.dma_semaphore, #tpu.memory_space<semaphore_mem>>
        %dma_start3A = arith.constant 0 : i32
        %dma_start3A_52 = tpu.memref_slice %arg4[%add3A_51, %dma_start3A] : memref<40000x32xi32, #tpu.memory_space<hbm>> -> memref<1x32xi32, #tpu.memory_space<hbm>>
        %dma_start3A_53 = tpu.memref_squeeze %dma_start3A_52 : memref<1x32xi32, #tpu.memory_space<hbm>> -> memref<32xi32, #tpu.memory_space<hbm>>
        %dma_start3A_54 = arith.constant 0 : i32
        %dma_start3A_55 = tpu.memref_slice %arg4[%add3A_51, %dma_start3A_54] : memref<40000x32xi32, #tpu.memory_space<hbm>> -> memref<1x32xi32, #tpu.memory_space<hbm>>
        %dma_start3A_56 = tpu.memref_squeeze %dma_start3A_55 : memref<1x32xi32, #tpu.memory_space<hbm>> -> memref<32xi32, #tpu.memory_space<hbm>>
        tpu.enqueue_dma source(%dma_start3A_56 : memref<32xi32, #tpu.memory_space<hbm>>) target(%arg7 : memref<32xi32, #tpu.memory_space<vmem>>) target_semaphore(%run_scoped3A : memref<!tpu.dma_semaphore, #tpu.memory_space<semaphore_mem>>)
        %dma_wait3A = arith.constant 0 : i32
        %dma_wait3A_57 = tpu.memref_slice %arg4[%add3A_51, %dma_wait3A] : memref<40000x32xi32, #tpu.memory_space<hbm>> -> memref<1x32xi32, #tpu.memory_space<hbm>>
        %dma_wait3A_58 = tpu.memref_squeeze %dma_wait3A_57 : memref<1x32xi32, #tpu.memory_space<hbm>> -> memref<32xi32, #tpu.memory_space<hbm>>
        %dma_wait3A_59 = arith.constant 0 : i32
        %dma_wait3A_60 = tpu.memref_slice %arg4[%add3A_51, %dma_wait3A_59] : memref<40000x32xi32, #tpu.memory_space<hbm>> -> memref<1x32xi32, #tpu.memory_space<hbm>>
        %dma_wait3A_61 = tpu.memref_squeeze %dma_wait3A_60 : memref<1x32xi32, #tpu.memory_space<hbm>> -> memref<32xi32, #tpu.memory_space<hbm>>
        tpu.wait_dma2 semaphore(%run_scoped3A : memref<!tpu.dma_semaphore, #tpu.memory_space<semaphore_mem>>) src(%dma_wait3A_61 : memref<32xi32, #tpu.memory_space<hbm>>) dst(%arg7 : memref<32xi32, #tpu.memory_space<vmem>>)
        tpu.yield
      }) : () -> ()
      "tpu.region"() ({
        %run_scoped3A = tpu.sem_alloc : memref<!tpu.dma_semaphore, #tpu.memory_space<semaphore_mem>>
        %dma_start3A = arith.constant 0 : i32
        %dma_start3A_52 = arith.constant 0 : i32
        %dma_start3A_53 = tpu.memref_slice %arg2[%dma_start3A, %dma_start3A_52] : memref<10240x128xf32, #tpu.memory_space<hbm>> -> memref<10240x128xf32, #tpu.memory_space<hbm>>
        tpu.enqueue_indirect_dma source(%dma_start3A_53 : memref<10240x128xf32, #tpu.memory_space<hbm>>) target(%arg8 : memref<32x128xf32, #tpu.memory_space<vmem>>) offsets(%arg6 : memref<32xi32, #tpu.memory_space<vmem>>) semaphore(%run_scoped3A : memref<!tpu.dma_semaphore, #tpu.memory_space<semaphore_mem>>)
        %dma_wait3A = arith.constant 0 : i32
        %dma_wait3A_54 = arith.constant 0 : i32
        %dma_wait3A_55 = tpu.memref_slice %arg2[%dma_wait3A, %dma_wait3A_54] : memref<10240x128xf32, #tpu.memory_space<hbm>> -> memref<10240x128xf32, #tpu.memory_space<hbm>>
        tpu.wait_indirect_dma semaphore(%run_scoped3A : memref<!tpu.dma_semaphore, #tpu.memory_space<semaphore_mem>>) src(%dma_wait3A_55 : memref<10240x128xf32, #tpu.memory_space<hbm>>) dst(%arg8 : memref<32x128xf32, #tpu.memory_space<vmem>>)
        tpu.yield
      }) : () -> ()
      "tpu.region"() ({
        %run_scoped3A = tpu.sem_alloc : memref<!tpu.dma_semaphore, #tpu.memory_space<semaphore_mem>>
        %dma_start3A = arith.constant 0 : i32
        %dma_start3A_52 = arith.constant 0 : i32
        %dma_start3A_53 = tpu.memref_slice %arg9[%dma_start3A, %dma_start3A_52] : memref<2560x128xf32, #tpu.memory_space<vmem_shared>> -> memref<2560x128xf32, #tpu.memory_space<vmem_shared>>
        tpu.enqueue_indirect_dma source(%arg8 : memref<32x128xf32, #tpu.memory_space<vmem>>) target(%dma_start3A_53 : memref<2560x128xf32, #tpu.memory_space<vmem_shared>>) offsets(%arg7 : memref<32xi32, #tpu.memory_space<vmem>>) semaphore(%run_scoped3A : memref<!tpu.dma_semaphore, #tpu.memory_space<semaphore_mem>>) {add = true}
        %dma_wait3A = arith.constant 0 : i32
        %dma_wait3A_54 = arith.constant 0 : i32
        %dma_wait3A_55 = tpu.memref_slice %arg9[%dma_wait3A, %dma_wait3A_54] : memref<2560x128xf32, #tpu.memory_space<vmem_shared>> -> memref<2560x128xf32, #tpu.memory_space<vmem_shared>>
        tpu.wait_indirect_dma semaphore(%run_scoped3A : memref<!tpu.dma_semaphore, #tpu.memory_space<semaphore_mem>>) src(%arg8 : memref<32x128xf32, #tpu.memory_space<vmem>>) dst(%dma_wait3A_55 : memref<2560x128xf32, #tpu.memory_space<vmem_shared>>)
        tpu.yield
      }) : () -> ()
    }
    %scan3A_37 = arith.constant 625 : i32
    %barrier3A_38 = arith.constant 0 : index
    tpu.barrier barrier_id(%barrier3A_38)
    %eq3A_39 = arith.constant 0 : i32
    %eq3A_40 = arith.cmpi eq, %arg1, %eq3A_39 : i32
    %convert_element_type3A_41 = arith.extui %eq3A_40 : i1 to i32
    %cond3A_42 = arith.constant 0 : i32
    %cond3A_43 = arith.cmpi ne, %convert_element_type3A_41, %cond3A_42 : i32
    scf.if %cond3A_43 {
      %mul3A_45 = arith.constant 2 : i32
      %mul3A_46 = arith.muli %arg0, %mul3A_45 : i32
      %add3A_47 = arith.constant 1 : i32
      %add3A_48 = arith.addi %mul3A_46, %add3A_47 : i32
      "tpu.region"() ({
        %run_scoped3A = tpu.sem_alloc : memref<!tpu.dma_semaphore, #tpu.memory_space<semaphore_mem>>
        %dma_start3A = arith.constant 0 : i32
        %dma_start3A_49 = arith.constant 0 : i32
        %dma_start3A_50 = tpu.memref_slice %arg5[%add3A_48, %dma_start3A, %dma_start3A_49] : memref<4x2560x128xf32, #tpu.memory_space<hbm>> -> memref<1x2560x128xf32, #tpu.memory_space<hbm>>
        %dma_start3A_51 = tpu.memref_squeeze %dma_start3A_50 : memref<1x2560x128xf32, #tpu.memory_space<hbm>> -> memref<2560x128xf32, #tpu.memory_space<hbm>>
        tpu.enqueue_dma source(%arg9 : memref<2560x128xf32, #tpu.memory_space<vmem_shared>>) target(%dma_start3A_51 : memref<2560x128xf32, #tpu.memory_space<hbm>>) target_semaphore(%run_scoped3A : memref<!tpu.dma_semaphore, #tpu.memory_space<semaphore_mem>>)
        %dma_wait3A = arith.constant 0 : i32
        %dma_wait3A_52 = arith.constant 0 : i32
        %dma_wait3A_53 = tpu.memref_slice %arg5[%add3A_48, %dma_wait3A, %dma_wait3A_52] : memref<4x2560x128xf32, #tpu.memory_space<hbm>> -> memref<1x2560x128xf32, #tpu.memory_space<hbm>>
        %dma_wait3A_54 = tpu.memref_squeeze %dma_wait3A_53 : memref<1x2560x128xf32, #tpu.memory_space<hbm>> -> memref<2560x128xf32, #tpu.memory_space<hbm>>
        tpu.wait_dma2 semaphore(%run_scoped3A : memref<!tpu.dma_semaphore, #tpu.memory_space<semaphore_mem>>) src(%arg9 : memref<2560x128xf32, #tpu.memory_space<vmem_shared>>) dst(%dma_wait3A_54 : memref<2560x128xf32, #tpu.memory_space<hbm>>)
        tpu.yield
      }) : () -> ()
    } else {
    }
    %barrier3A_44 = arith.constant 0 : index
    tpu.barrier barrier_id(%barrier3A_44)
    return
  }
}

#map = affine_map<(d0, d1) -> (0, 0)>
#map1 = affine_map<(d0, d1) -> (0, 0, 0)>
module attributes {stable_mosaic.version = 14 : i64} {
  func.func @scat_kernel(%arg0: i32, %arg1: i32, %arg2: memref<10240x128xf32, #tpu.memory_space<hbm>>, %arg3: memref<40000x32xi32, #tpu.memory_space<hbm>>, %arg4: memref<40000x32xi32, #tpu.memory_space<hbm>>, %arg5: memref<4x2560x128xf32, #tpu.memory_space<hbm>>, %arg6: memref<32xi32, #tpu.memory_space<vmem>>, %arg7: memref<32xi32, #tpu.memory_space<vmem>>, %arg8: memref<32x128xf32, #tpu.memory_space<vmem>>, %arg9: memref<2560x128xf32, #tpu.memory_space<vmem_shared>>) attributes {dimension_semantics = [#tpu.dimension_semantics<core_parallel>, #tpu.dimension_semantics<subcore_parallel>], iteration_bounds = array<i64: 2, 16>, scalar_prefetch = 0 : i64, scratch_operands = 4 : i64, tpu.core_type = #tpu.core_type<sc_vector_subcore>, window_params = [{transform_indices = #map}, {transform_indices = #map}, {transform_indices = #map}, {transform_indices = #map1}]} {
    %mul3A = arith.constant 2 : i32
    %mul3A_0 = arith.muli %arg0, %mul3A : i32
    %add3A = arith.constant 0 : i32
    %add3A_1 = arith.addi %mul3A_0, %add3A : i32
    %mul3A_2 = arith.constant 16 : i32
    %mul3A_3 = arith.muli %add3A_1, %mul3A_2 : i32
    %add3A_4 = arith.addi %mul3A_3, %arg1 : i32
    %eq3A = arith.constant 0 : i32
    %eq3A_5 = arith.cmpi eq, %arg1, %eq3A : i32
    %convert_element_type3A = arith.extui %eq3A_5 : i1 to i32
    %cond3A = arith.constant 0 : i32
    %cond3A_6 = arith.cmpi ne, %convert_element_type3A, %cond3A : i32
    scf.if %cond3A_6 {
      %mul3A_45 = arith.constant 2 : i32
      %mul3A_46 = arith.muli %arg0, %mul3A_45 : i32
      %add3A_47 = arith.constant 0 : i32
      %add3A_48 = arith.addi %mul3A_46, %add3A_47 : i32
      %mul3A_49 = arith.constant 2560 : i32
      %mul3A_50 = arith.muli %add3A_48, %mul3A_49 : i32
      "tpu.region"() ({
        %run_scoped3A = tpu.sem_alloc : memref<!tpu.dma_semaphore, #tpu.memory_space<semaphore_mem>>
        %dma_start3A = arith.constant 0 : i32
        %dma_start3A_51 = tpu.memref_slice %arg2[%mul3A_50, %dma_start3A] : memref<10240x128xf32, #tpu.memory_space<hbm>> -> memref<2560x128xf32, #tpu.memory_space<hbm>>
        tpu.enqueue_dma source(%dma_start3A_51 : memref<2560x128xf32, #tpu.memory_space<hbm>>) target(%arg9 : memref<2560x128xf32, #tpu.memory_space<vmem_shared>>) target_semaphore(%run_scoped3A : memref<!tpu.dma_semaphore, #tpu.memory_space<semaphore_mem>>)
        %dma_wait3A = arith.constant 0 : i32
        %dma_wait3A_52 = tpu.memref_slice %arg2[%mul3A_50, %dma_wait3A] : memref<10240x128xf32, #tpu.memory_space<hbm>> -> memref<2560x128xf32, #tpu.memory_space<hbm>>
        tpu.wait_dma2 semaphore(%run_scoped3A : memref<!tpu.dma_semaphore, #tpu.memory_space<semaphore_mem>>) src(%dma_wait3A_52 : memref<2560x128xf32, #tpu.memory_space<hbm>>) dst(%arg9 : memref<2560x128xf32, #tpu.memory_space<vmem_shared>>)
        tpu.yield
      }) : () -> ()
    } else {
    }
    %barrier3A = arith.constant 0 : index
    tpu.barrier barrier_id(%barrier3A)
    %scan3A = arith.constant 0 : i32
    %scan3A_7 = arith.constant 0 : i32
    %scan3A_8 = arith.constant 625 : i32
    %scan3A_9 = arith.addi %scan3A_7, %scan3A_8 : i32
    %scan3A_10 = arith.constant 1 : i32
    scf.for %scan3A_45 = %scan3A_7 to %scan3A_9 step %scan3A_10  : i32 {
      %mul3A_46 = arith.constant 625 : i32
      %mul3A_47 = arith.muli %add3A_4, %mul3A_46 : i32
      %add3A_48 = arith.addi %mul3A_47, %scan3A_45 : i32
      "tpu.region"() ({
        %run_scoped3A = tpu.sem_alloc : memref<!tpu.dma_semaphore, #tpu.memory_space<semaphore_mem>>
        %dma_start3A = arith.constant 0 : i32
        %dma_start3A_52 = tpu.memref_slice %arg3[%add3A_48, %dma_start3A] : memref<40000x32xi32, #tpu.memory_space<hbm>> -> memref<1x32xi32, #tpu.memory_space<hbm>>
        %dma_start3A_53 = tpu.memref_squeeze %dma_start3A_52 : memref<1x32xi32, #tpu.memory_space<hbm>> -> memref<32xi32, #tpu.memory_space<hbm>>
        %dma_start3A_54 = arith.constant 0 : i32
        %dma_start3A_55 = tpu.memref_slice %arg3[%add3A_48, %dma_start3A_54] : memref<40000x32xi32, #tpu.memory_space<hbm>> -> memref<1x32xi32, #tpu.memory_space<hbm>>
        %dma_start3A_56 = tpu.memref_squeeze %dma_start3A_55 : memref<1x32xi32, #tpu.memory_space<hbm>> -> memref<32xi32, #tpu.memory_space<hbm>>
        tpu.enqueue_dma source(%dma_start3A_56 : memref<32xi32, #tpu.memory_space<hbm>>) target(%arg6 : memref<32xi32, #tpu.memory_space<vmem>>) target_semaphore(%run_scoped3A : memref<!tpu.dma_semaphore, #tpu.memory_space<semaphore_mem>>)
        %dma_wait3A = arith.constant 0 : i32
        %dma_wait3A_57 = tpu.memref_slice %arg3[%add3A_48, %dma_wait3A] : memref<40000x32xi32, #tpu.memory_space<hbm>> -> memref<1x32xi32, #tpu.memory_space<hbm>>
        %dma_wait3A_58 = tpu.memref_squeeze %dma_wait3A_57 : memref<1x32xi32, #tpu.memory_space<hbm>> -> memref<32xi32, #tpu.memory_space<hbm>>
        %dma_wait3A_59 = arith.constant 0 : i32
        %dma_wait3A_60 = tpu.memref_slice %arg3[%add3A_48, %dma_wait3A_59] : memref<40000x32xi32, #tpu.memory_space<hbm>> -> memref<1x32xi32, #tpu.memory_space<hbm>>
        %dma_wait3A_61 = tpu.memref_squeeze %dma_wait3A_60 : memref<1x32xi32, #tpu.memory_space<hbm>> -> memref<32xi32, #tpu.memory_space<hbm>>
        tpu.wait_dma2 semaphore(%run_scoped3A : memref<!tpu.dma_semaphore, #tpu.memory_space<semaphore_mem>>) src(%dma_wait3A_61 : memref<32xi32, #tpu.memory_space<hbm>>) dst(%arg6 : memref<32xi32, #tpu.memory_space<vmem>>)
        tpu.yield
      }) : () -> ()
      %mul3A_49 = arith.constant 625 : i32
      %mul3A_50 = arith.muli %add3A_4, %mul3A_49 : i32
      %add3A_51 = arith.addi %mul3A_50, %scan3A_45 : i32
      "tpu.region"() ({
        %run_scoped3A = tpu.sem_alloc : memref<!tpu.dma_semaphore, #tpu.memory_space<semaphore_mem>>
        %dma_start3A = arith.constant 0 : i32
        %dma_start3A_52 = tpu.memref_slice %arg4[%add3A_51, %dma_start3A] : memref<40000x32xi32, #tpu.memory_space<hbm>> -> memref<1x32xi32, #tpu.memory_space<hbm>>
        %dma_start3A_53 = tpu.memref_squeeze %dma_start3A_52 : memref<1x32xi32, #tpu.memory_space<hbm>> -> memref<32xi32, #tpu.memory_space<hbm>>
        %dma_start3A_54 = arith.constant 0 : i32
        %dma_start3A_55 = tpu.memref_slice %arg4[%add3A_51, %dma_start3A_54] : memref<40000x32xi32, #tpu.memory_space<hbm>> -> memref<1x32xi32, #tpu.memory_space<hbm>>
        %dma_start3A_56 = tpu.memref_squeeze %dma_start3A_55 : memref<1x32xi32, #tpu.memory_space<hbm>> -> memref<32xi32, #tpu.memory_space<hbm>>
        tpu.enqueue_dma source(%dma_start3A_56 : memref<32xi32, #tpu.memory_space<hbm>>) target(%arg7 : memref<32xi32, #tpu.memory_space<vmem>>) target_semaphore(%run_scoped3A : memref<!tpu.dma_semaphore, #tpu.memory_space<semaphore_mem>>)
        %dma_wait3A = arith.constant 0 : i32
        %dma_wait3A_57 = tpu.memref_slice %arg4[%add3A_51, %dma_wait3A] : memref<40000x32xi32, #tpu.memory_space<hbm>> -> memref<1x32xi32, #tpu.memory_space<hbm>>
        %dma_wait3A_58 = tpu.memref_squeeze %dma_wait3A_57 : memref<1x32xi32, #tpu.memory_space<hbm>> -> memref<32xi32, #tpu.memory_space<hbm>>
        %dma_wait3A_59 = arith.constant 0 : i32
        %dma_wait3A_60 = tpu.memref_slice %arg4[%add3A_51, %dma_wait3A_59] : memref<40000x32xi32, #tpu.memory_space<hbm>> -> memref<1x32xi32, #tpu.memory_space<hbm>>
        %dma_wait3A_61 = tpu.memref_squeeze %dma_wait3A_60 : memref<1x32xi32, #tpu.memory_space<hbm>> -> memref<32xi32, #tpu.memory_space<hbm>>
        tpu.wait_dma2 semaphore(%run_scoped3A : memref<!tpu.dma_semaphore, #tpu.memory_space<semaphore_mem>>) src(%dma_wait3A_61 : memref<32xi32, #tpu.memory_space<hbm>>) dst(%arg7 : memref<32xi32, #tpu.memory_space<vmem>>)
        tpu.yield
      }) : () -> ()
      "tpu.region"() ({
        %run_scoped3A = tpu.sem_alloc : memref<!tpu.dma_semaphore, #tpu.memory_space<semaphore_mem>>
        %dma_start3A = arith.constant 0 : i32
        %dma_start3A_52 = arith.constant 0 : i32
        %dma_start3A_53 = tpu.memref_slice %arg2[%dma_start3A, %dma_start3A_52] : memref<10240x128xf32, #tpu.memory_space<hbm>> -> memref<10240x128xf32, #tpu.memory_space<hbm>>
        tpu.enqueue_indirect_dma source(%dma_start3A_53 : memref<10240x128xf32, #tpu.memory_space<hbm>>) target(%arg8 : memref<32x128xf32, #tpu.memory_space<vmem>>) offsets(%arg6 : memref<32xi32, #tpu.memory_space<vmem>>) semaphore(%run_scoped3A : memref<!tpu.dma_semaphore, #tpu.memory_space<semaphore_mem>>)
        %dma_wait3A = arith.constant 0 : i32
        %dma_wait3A_54 = arith.constant 0 : i32
        %dma_wait3A_55 = tpu.memref_slice %arg2[%dma_wait3A, %dma_wait3A_54] : memref<10240x128xf32, #tpu.memory_space<hbm>> -> memref<10240x128xf32, #tpu.memory_space<hbm>>
        tpu.wait_indirect_dma semaphore(%run_scoped3A : memref<!tpu.dma_semaphore, #tpu.memory_space<semaphore_mem>>) src(%dma_wait3A_55 : memref<10240x128xf32, #tpu.memory_space<hbm>>) dst(%arg8 : memref<32x128xf32, #tpu.memory_space<vmem>>)
        tpu.yield
      }) : () -> ()
      "tpu.region"() ({
        %run_scoped3A = tpu.sem_alloc : memref<!tpu.dma_semaphore, #tpu.memory_space<semaphore_mem>>
        %dma_start3A = arith.constant 0 : i32
        %dma_start3A_52 = arith.constant 0 : i32
        %dma_start3A_53 = tpu.memref_slice %arg9[%dma_start3A, %dma_start3A_52] : memref<2560x128xf32, #tpu.memory_space<vmem_shared>> -> memref<2560x128xf32, #tpu.memory_space<vmem_shared>>
        tpu.enqueue_indirect_dma source(%arg8 : memref<32x128xf32, #tpu.memory_space<vmem>>) target(%dma_start3A_53 : memref<2560x128xf32, #tpu.memory_space<vmem_shared>>) offsets(%arg7 : memref<32xi32, #tpu.memory_space<vmem>>) semaphore(%run_scoped3A : memref<!tpu.dma_semaphore, #tpu.memory_space<semaphore_mem>>) {add = true}
        %dma_wait3A = arith.constant 0 : i32
        %dma_wait3A_54 = arith.constant 0 : i32
        %dma_wait3A_55 = tpu.memref_slice %arg9[%dma_wait3A, %dma_wait3A_54] : memref<2560x128xf32, #tpu.memory_space<vmem_shared>> -> memref<2560x128xf32, #tpu.memory_space<vmem_shared>>
        tpu.wait_indirect_dma semaphore(%run_scoped3A : memref<!tpu.dma_semaphore, #tpu.memory_space<semaphore_mem>>) src(%arg8 : memref<32x128xf32, #tpu.memory_space<vmem>>) dst(%dma_wait3A_55 : memref<2560x128xf32, #tpu.memory_space<vmem_shared>>)
        tpu.yield
      }) : () -> ()
    }
    %scan3A_11 = arith.constant 625 : i32
    %barrier3A_12 = arith.constant 0 : index
    tpu.barrier barrier_id(%barrier3A_12)
    %eq3A_13 = arith.constant 0 : i32
    %eq3A_14 = arith.cmpi eq, %arg1, %eq3A_13 : i32
    %convert_element_type3A_15 = arith.extui %eq3A_14 : i1 to i32
    %cond3A_16 = arith.constant 0 : i32
    %cond3A_17 = arith.cmpi ne, %convert_element_type3A_15, %cond3A_16 : i32
    scf.if %cond3A_17 {
      %mul3A_45 = arith.constant 2 : i32
      %mul3A_46 = arith.muli %arg0, %mul3A_45 : i32
      %add3A_47 = arith.constant 0 : i32
      %add3A_48 = arith.addi %mul3A_46, %add3A_47 : i32
      "tpu.region"() ({
        %run_scoped3A = tpu.sem_alloc : memref<!tpu.dma_semaphore, #tpu.memory_space<semaphore_mem>>
        %dma_start3A = arith.constant 0 : i32
        %dma_start3A_49 = arith.constant 0 : i32
        %dma_start3A_50 = tpu.memref_slice %arg5[%add3A_48, %dma_start3A, %dma_start3A_49] : memref<4x2560x128xf32, #tpu.memory_space<hbm>> -> memref<1x2560x128xf32, #tpu.memory_space<hbm>>
        %dma_start3A_51 = tpu.memref_squeeze %dma_start3A_50 : memref<1x2560x128xf32, #tpu.memory_space<hbm>> -> memref<2560x128xf32, #tpu.memory_space<hbm>>
        tpu.enqueue_dma source(%arg9 : memref<2560x128xf32, #tpu.memory_space<vmem_shared>>) target(%dma_start3A_51 : memref<2560x128xf32, #tpu.memory_space<hbm>>) target_semaphore(%run_scoped3A : memref<!tpu.dma_semaphore, #tpu.memory_space<semaphore_mem>>)
        %dma_wait3A = arith.constant 0 : i32
        %dma_wait3A_52 = arith.constant 0 : i32
        %dma_wait3A_53 = tpu.memref_slice %arg5[%add3A_48, %dma_wait3A, %dma_wait3A_52] : memref<4x2560x128xf32, #tpu.memory_space<hbm>> -> memref<1x2560x128xf32, #tpu.memory_space<hbm>>
        %dma_wait3A_54 = tpu.memref_squeeze %dma_wait3A_53 : memref<1x2560x128xf32, #tpu.memory_space<hbm>> -> memref<2560x128xf32, #tpu.memory_space<hbm>>
        tpu.wait_dma2 semaphore(%run_scoped3A : memref<!tpu.dma_semaphore, #tpu.memory_space<semaphore_mem>>) src(%arg9 : memref<2560x128xf32, #tpu.memory_space<vmem_shared>>) dst(%dma_wait3A_54 : memref<2560x128xf32, #tpu.memory_space<hbm>>)
        tpu.yield
      }) : () -> ()
    } else {
    }
    %barrier3A_18 = arith.constant 0 : index
    tpu.barrier barrier_id(%barrier3A_18)
    %mul3A_19 = arith.constant 2 : i32
    %mul3A_20 = arith.muli %arg0, %mul3A_19 : i32
    %add3A_21 = arith.constant 1 : i32
    %add3A_22 = arith.addi %mul3A_20, %add3A_21 : i32
    %mul3A_23 = arith.constant 16 : i32
    %mul3A_24 = arith.muli %add3A_22, %mul3A_23 : i32
    %add3A_25 = arith.addi %mul3A_24, %arg1 : i32
    %eq3A_26 = arith.constant 0 : i32
    %eq3A_27 = arith.cmpi eq, %arg1, %eq3A_26 : i32
    %convert_element_type3A_28 = arith.extui %eq3A_27 : i1 to i32
    %cond3A_29 = arith.constant 0 : i32
    %cond3A_30 = arith.cmpi ne, %convert_element_type3A_28, %cond3A_29 : i32
    scf.if %cond3A_30 {
      %mul3A_45 = arith.constant 2 : i32
      %mul3A_46 = arith.muli %arg0, %mul3A_45 : i32
      %add3A_47 = arith.constant 1 : i32
      %add3A_48 = arith.addi %mul3A_46, %add3A_47 : i32
      %mul3A_49 = arith.constant 2560 : i32
      %mul3A_50 = arith.muli %add3A_48, %mul3A_49 : i32
      "tpu.region"() ({
        %run_scoped3A = tpu.sem_alloc : memref<!tpu.dma_semaphore, #tpu.memory_space<semaphore_mem>>
        %dma_start3A = arith.constant 0 : i32
        %dma_start3A_51 = tpu.memref_slice %arg2[%mul3A_50, %dma_start3A] : memref<10240x128xf32, #tpu.memory_space<hbm>> -> memref<2560x128xf32, #tpu.memory_space<hbm>>
        tpu.enqueue_dma source(%dma_start3A_51 : memref<2560x128xf32, #tpu.memory_space<hbm>>) target(%arg9 : memref<2560x128xf32, #tpu.memory_space<vmem_shared>>) target_semaphore(%run_scoped3A : memref<!tpu.dma_semaphore, #tpu.memory_space<semaphore_mem>>)
        %dma_wait3A = arith.constant 0 : i32
        %dma_wait3A_52 = tpu.memref_slice %arg2[%mul3A_50, %dma_wait3A] : memref<10240x128xf32, #tpu.memory_space<hbm>> -> memref<2560x128xf32, #tpu.memory_space<hbm>>
        tpu.wait_dma2 semaphore(%run_scoped3A : memref<!tpu.dma_semaphore, #tpu.memory_space<semaphore_mem>>) src(%dma_wait3A_52 : memref<2560x128xf32, #tpu.memory_space<hbm>>) dst(%arg9 : memref<2560x128xf32, #tpu.memory_space<vmem_shared>>)
        tpu.yield
      }) : () -> ()
    } else {
    }
    %barrier3A_31 = arith.constant 0 : index
    tpu.barrier barrier_id(%barrier3A_31)
    %scan3A_32 = arith.constant 0 : i32
    %scan3A_33 = arith.constant 0 : i32
    %scan3A_34 = arith.constant 625 : i32
    %scan3A_35 = arith.addi %scan3A_33, %scan3A_34 : i32
    %scan3A_36 = arith.constant 1 : i32
    scf.for %scan3A_45 = %scan3A_33 to %scan3A_35 step %scan3A_36  : i32 {
      %mul3A_46 = arith.constant 625 : i32
      %mul3A_47 = arith.muli %add3A_25, %mul3A_46 : i32
      %add3A_48 = arith.addi %mul3A_47, %scan3A_45 : i32
      "tpu.region"() ({
        %run_scoped3A = tpu.sem_alloc : memref<!tpu.dma_semaphore, #tpu.memory_space<semaphore_mem>>
        %dma_start3A = arith.constant 0 : i32
        %dma_start3A_52 = tpu.memref_slice %arg3[%add3A_48, %dma_start3A] : memref<40000x32xi32, #tpu.memory_space<hbm>> -> memref<1x32xi32, #tpu.memory_space<hbm>>
        %dma_start3A_53 = tpu.memref_squeeze %dma_start3A_52 : memref<1x32xi32, #tpu.memory_space<hbm>> -> memref<32xi32, #tpu.memory_space<hbm>>
        %dma_start3A_54 = arith.constant 0 : i32
        %dma_start3A_55 = tpu.memref_slice %arg3[%add3A_48, %dma_start3A_54] : memref<40000x32xi32, #tpu.memory_space<hbm>> -> memref<1x32xi32, #tpu.memory_space<hbm>>
        %dma_start3A_56 = tpu.memref_squeeze %dma_start3A_55 : memref<1x32xi32, #tpu.memory_space<hbm>> -> memref<32xi32, #tpu.memory_space<hbm>>
        tpu.enqueue_dma source(%dma_start3A_56 : memref<32xi32, #tpu.memory_space<hbm>>) target(%arg6 : memref<32xi32, #tpu.memory_space<vmem>>) target_semaphore(%run_scoped3A : memref<!tpu.dma_semaphore, #tpu.memory_space<semaphore_mem>>)
        %dma_wait3A = arith.constant 0 : i32
        %dma_wait3A_57 = tpu.memref_slice %arg3[%add3A_48, %dma_wait3A] : memref<40000x32xi32, #tpu.memory_space<hbm>> -> memref<1x32xi32, #tpu.memory_space<hbm>>
        %dma_wait3A_58 = tpu.memref_squeeze %dma_wait3A_57 : memref<1x32xi32, #tpu.memory_space<hbm>> -> memref<32xi32, #tpu.memory_space<hbm>>
        %dma_wait3A_59 = arith.constant 0 : i32
        %dma_wait3A_60 = tpu.memref_slice %arg3[%add3A_48, %dma_wait3A_59] : memref<40000x32xi32, #tpu.memory_space<hbm>> -> memref<1x32xi32, #tpu.memory_space<hbm>>
        %dma_wait3A_61 = tpu.memref_squeeze %dma_wait3A_60 : memref<1x32xi32, #tpu.memory_space<hbm>> -> memref<32xi32, #tpu.memory_space<hbm>>
        tpu.wait_dma2 semaphore(%run_scoped3A : memref<!tpu.dma_semaphore, #tpu.memory_space<semaphore_mem>>) src(%dma_wait3A_61 : memref<32xi32, #tpu.memory_space<hbm>>) dst(%arg6 : memref<32xi32, #tpu.memory_space<vmem>>)
        tpu.yield
      }) : () -> ()
      %mul3A_49 = arith.constant 625 : i32
      %mul3A_50 = arith.muli %add3A_25, %mul3A_49 : i32
      %add3A_51 = arith.addi %mul3A_50, %scan3A_45 : i32
      "tpu.region"() ({
        %run_scoped3A = tpu.sem_alloc : memref<!tpu.dma_semaphore, #tpu.memory_space<semaphore_mem>>
        %dma_start3A = arith.constant 0 : i32
        %dma_start3A_52 = tpu.memref_slice %arg4[%add3A_51, %dma_start3A] : memref<40000x32xi32, #tpu.memory_space<hbm>> -> memref<1x32xi32, #tpu.memory_space<hbm>>
        %dma_start3A_53 = tpu.memref_squeeze %dma_start3A_52 : memref<1x32xi32, #tpu.memory_space<hbm>> -> memref<32xi32, #tpu.memory_space<hbm>>
        %dma_start3A_54 = arith.constant 0 : i32
        %dma_start3A_55 = tpu.memref_slice %arg4[%add3A_51, %dma_start3A_54] : memref<40000x32xi32, #tpu.memory_space<hbm>> -> memref<1x32xi32, #tpu.memory_space<hbm>>
        %dma_start3A_56 = tpu.memref_squeeze %dma_start3A_55 : memref<1x32xi32, #tpu.memory_space<hbm>> -> memref<32xi32, #tpu.memory_space<hbm>>
        tpu.enqueue_dma source(%dma_start3A_56 : memref<32xi32, #tpu.memory_space<hbm>>) target(%arg7 : memref<32xi32, #tpu.memory_space<vmem>>) target_semaphore(%run_scoped3A : memref<!tpu.dma_semaphore, #tpu.memory_space<semaphore_mem>>)
        %dma_wait3A = arith.constant 0 : i32
        %dma_wait3A_57 = tpu.memref_slice %arg4[%add3A_51, %dma_wait3A] : memref<40000x32xi32, #tpu.memory_space<hbm>> -> memref<1x32xi32, #tpu.memory_space<hbm>>
        %dma_wait3A_58 = tpu.memref_squeeze %dma_wait3A_57 : memref<1x32xi32, #tpu.memory_space<hbm>> -> memref<32xi32, #tpu.memory_space<hbm>>
        %dma_wait3A_59 = arith.constant 0 : i32
        %dma_wait3A_60 = tpu.memref_slice %arg4[%add3A_51, %dma_wait3A_59] : memref<40000x32xi32, #tpu.memory_space<hbm>> -> memref<1x32xi32, #tpu.memory_space<hbm>>
        %dma_wait3A_61 = tpu.memref_squeeze %dma_wait3A_60 : memref<1x32xi32, #tpu.memory_space<hbm>> -> memref<32xi32, #tpu.memory_space<hbm>>
        tpu.wait_dma2 semaphore(%run_scoped3A : memref<!tpu.dma_semaphore, #tpu.memory_space<semaphore_mem>>) src(%dma_wait3A_61 : memref<32xi32, #tpu.memory_space<hbm>>) dst(%arg7 : memref<32xi32, #tpu.memory_space<vmem>>)
        tpu.yield
      }) : () -> ()
      "tpu.region"() ({
        %run_scoped3A = tpu.sem_alloc : memref<!tpu.dma_semaphore, #tpu.memory_space<semaphore_mem>>
        %dma_start3A = arith.constant 0 : i32
        %dma_start3A_52 = arith.constant 0 : i32
        %dma_start3A_53 = tpu.memref_slice %arg2[%dma_start3A, %dma_start3A_52] : memref<10240x128xf32, #tpu.memory_space<hbm>> -> memref<10240x128xf32, #tpu.memory_space<hbm>>
        tpu.enqueue_indirect_dma source(%dma_start3A_53 : memref<10240x128xf32, #tpu.memory_space<hbm>>) target(%arg8 : memref<32x128xf32, #tpu.memory_space<vmem>>) offsets(%arg6 : memref<32xi32, #tpu.memory_space<vmem>>) semaphore(%run_scoped3A : memref<!tpu.dma_semaphore, #tpu.memory_space<semaphore_mem>>)
        %dma_wait3A = arith.constant 0 : i32
        %dma_wait3A_54 = arith.constant 0 : i32
        %dma_wait3A_55 = tpu.memref_slice %arg2[%dma_wait3A, %dma_wait3A_54] : memref<10240x128xf32, #tpu.memory_space<hbm>> -> memref<10240x128xf32, #tpu.memory_space<hbm>>
        tpu.wait_indirect_dma semaphore(%run_scoped3A : memref<!tpu.dma_semaphore, #tpu.memory_space<semaphore_mem>>) src(%dma_wait3A_55 : memref<10240x128xf32, #tpu.memory_space<hbm>>) dst(%arg8 : memref<32x128xf32, #tpu.memory_space<vmem>>)
        tpu.yield
      }) : () -> ()
      "tpu.region"() ({
        %run_scoped3A = tpu.sem_alloc : memref<!tpu.dma_semaphore, #tpu.memory_space<semaphore_mem>>
        %dma_start3A = arith.constant 0 : i32
        %dma_start3A_52 = arith.constant 0 : i32
        %dma_start3A_53 = tpu.memref_slice %arg9[%dma_start3A, %dma_start3A_52] : memref<2560x128xf32, #tpu.memory_space<vmem_shared>> -> memref<2560x128xf32, #tpu.memory_space<vmem_shared>>
        tpu.enqueue_indirect_dma source(%arg8 : memref<32x128xf32, #tpu.memory_space<vmem>>) target(%dma_start3A_53 : memref<2560x128xf32, #tpu.memory_space<vmem_shared>>) offsets(%arg7 : memref<32xi32, #tpu.memory_space<vmem>>) semaphore(%run_scoped3A : memref<!tpu.dma_semaphore, #tpu.memory_space<semaphore_mem>>) {add = true}
        %dma_wait3A = arith.constant 0 : i32
        %dma_wait3A_54 = arith.constant 0 : i32
        %dma_wait3A_55 = tpu.memref_slice %arg9[%dma_wait3A, %dma_wait3A_54] : memref<2560x128xf32, #tpu.memory_space<vmem_shared>> -> memref<2560x128xf32, #tpu.memory_space<vmem_shared>>
        tpu.wait_indirect_dma semaphore(%run_scoped3A : memref<!tpu.dma_semaphore, #tpu.memory_space<semaphore_mem>>) src(%arg8 : memref<32x128xf32, #tpu.memory_space<vmem>>) dst(%dma_wait3A_55 : memref<2560x128xf32, #tpu.memory_space<vmem_shared>>)
        tpu.yield
      }) : () -> ()
    }
    %scan3A_37 = arith.constant 625 : i32
    %barrier3A_38 = arith.constant 0 : index
    tpu.barrier barrier_id(%barrier3A_38)
    %eq3A_39 = arith.constant 0 : i32
    %eq3A_40 = arith.cmpi eq, %arg1, %eq3A_39 : i32
    %convert_element_type3A_41 = arith.extui %eq3A_40 : i1 to i32
    %cond3A_42 = arith.constant 0 : i32
    %cond3A_43 = arith.cmpi ne, %convert_element_type3A_41, %cond3A_42 : i32
    scf.if %cond3A_43 {
      %mul3A_45 = arith.constant 2 : i32
      %mul3A_46 = arith.muli %arg0, %mul3A_45 : i32
      %add3A_47 = arith.constant 1 : i32
      %add3A_48 = arith.addi %mul3A_46, %add3A_47 : i32
      "tpu.region"() ({
        %run_scoped3A = tpu.sem_alloc : memref<!tpu.dma_semaphore, #tpu.memory_space<semaphore_mem>>
        %dma_start3A = arith.constant 0 : i32
        %dma_start3A_49 = arith.constant 0 : i32
        %dma_start3A_50 = tpu.memref_slice %arg5[%add3A_48, %dma_start3A, %dma_start3A_49] : memref<4x2560x128xf32, #tpu.memory_space<hbm>> -> memref<1x2560x128xf32, #tpu.memory_space<hbm>>
        %dma_start3A_51 = tpu.memref_squeeze %dma_start3A_50 : memref<1x2560x128xf32, #tpu.memory_space<hbm>> -> memref<2560x128xf32, #tpu.memory_space<hbm>>
        tpu.enqueue_dma source(%arg9 : memref<2560x128xf32, #tpu.memory_space<vmem_shared>>) target(%dma_start3A_51 : memref<2560x128xf32, #tpu.memory_space<hbm>>) target_semaphore(%run_scoped3A : memref<!tpu.dma_semaphore, #tpu.memory_space<semaphore_mem>>)
        %dma_wait3A = arith.constant 0 : i32
        %dma_wait3A_52 = arith.constant 0 : i32
        %dma_wait3A_53 = tpu.memref_slice %arg5[%add3A_48, %dma_wait3A, %dma_wait3A_52] : memref<4x2560x128xf32, #tpu.memory_space<hbm>> -> memref<1x2560x128xf32, #tpu.memory_space<hbm>>
        %dma_wait3A_54 = tpu.memref_squeeze %dma_wait3A_53 : memref<1x2560x128xf32, #tpu.memory_space<hbm>> -> memref<2560x128xf32, #tpu.memory_space<hbm>>
        tpu.wait_dma2 semaphore(%run_scoped3A : memref<!tpu.dma_semaphore, #tpu.memory_space<semaphore_mem>>) src(%arg9 : memref<2560x128xf32, #tpu.memory_space<vmem_shared>>) dst(%dma_wait3A_54 : memref<2560x128xf32, #tpu.memory_space<hbm>>)
        tpu.yield
      }) : () -> ()
    } else {
    }
    %barrier3A_44 = arith.constant 0 : index
    tpu.barrier barrier_id(%barrier3A_44)
    return
  }
}

module attributes {stable_mosaic.version = 14 : i64} {
  func.func @body(%arg0: i32, %arg1: memref<2560x128xf32, #tpu.memory_space<vmem>>, %arg2: memref<128x128xf32, #tpu.memory_space<vmem>>, %arg3: memref<2x2560x16xf32, #tpu.memory_space<vmem>>, %arg4: memref<2560x128xf32, #tpu.memory_space<vmem>>) attributes {dimension_semantics = [#tpu.dimension_semantics<arbitrary>], iteration_bounds = array<i64: 4>, scalar_prefetch = 0 : i64, scratch_operands = 0 : i64, tpu.core_type = #tpu.core_type<tc>, window_params = [{transform_indices = @transform_0, window_bounds = array<i64: 2560, 128>}, {pipeline_mode = #tpu.pipeline_mode<synchronous>, transform_indices = @transform_1, window_bounds = array<i64: 128, 128>}, {transform_indices = @transform_2, window_bounds = array<i64: 2, 2560, 16>}, {transform_indices = @transform_3, window_bounds = array<i64: 2560, 128>}]} {
    %get3A = arith.constant 0 : index
    %get3A_0 = arith.constant 0 : index
    %get3A_1 = vector.load %arg1[%get3A, %get3A_0] : memref<2560x128xf32, #tpu.memory_space<vmem>>, vector<2560x128xf32>
    %get3A_2 = arith.constant 0 : index
    %get3A_3 = arith.constant 0 : index
    %get3A_4 = vector.load %arg2[%get3A_2, %get3A_3] : memref<128x128xf32, #tpu.memory_space<vmem>>, vector<128x128xf32>
    %dot_general3A = arith.constant dense<0.000000e+00> : vector<2560x128xf32>
    %dot_general3A_5 = tpu.matmul %get3A_1, %get3A_4, %dot_general3A {dimension_numbers = #tpu.dot_dimension_numbers<[1], [0], [0], [1], [0, 0, 1, 1], [], []>, transpose_lhs_hint = false} : vector<2560x128xf32>, vector<128x128xf32>, vector<2560x128xf32> -> vector<2560x128xf32>
    %get3A_6 = arith.constant 0 : index
    %get3A_7 = arith.constant 0 : index
    %get3A_8 = arith.constant 0 : index
    %get3A_9 = vector.load %arg3[%get3A_6, %get3A_7, %get3A_8] : memref<2x2560x16xf32, #tpu.memory_space<vmem>>, vector<1x2560x16xf32>
    %get3A_10 = vector.shape_cast %get3A_9 : vector<1x2560x16xf32> to vector<2560x16xf32>
    %get3A_11 = arith.constant 1 : index
    %get3A_12 = arith.constant 0 : index
    %get3A_13 = arith.constant 0 : index
    %get3A_14 = vector.load %arg3[%get3A_11, %get3A_12, %get3A_13] : memref<2x2560x16xf32, #tpu.memory_space<vmem>>, vector<1x2560x16xf32>
    %get3A_15 = vector.shape_cast %get3A_14 : vector<1x2560x16xf32> to vector<2560x16xf32>
    %add3A = arith.addf %get3A_10, %get3A_15 : vector<2560x16xf32>
    %slice3A = vector.extract_strided_slice %add3A {offsets = [0, 0], sizes = [2560, 1], strides = [1, 1]} : vector<2560x16xf32> to vector<2560x1xf32>
    %add3A_16 = arith.constant 1.000000e+00 : f32
    %add3A_17 = vector.broadcast %add3A_16 : f32 to vector<2560x1xf32>
    %add3A_18 = arith.addf %slice3A, %add3A_17 : vector<2560x1xf32>
    %rsqrt3A = math.rsqrt %add3A_18 : vector<2560x1xf32>
    %mul3A = vector.broadcast %rsqrt3A : vector<2560x1xf32> to vector<2560x128xf32>
    %mul3A_19 = arith.mulf %dot_general3A_5, %mul3A : vector<2560x128xf32>
    %swap3A = arith.constant 0 : index
    %swap3A_20 = arith.constant 0 : index
    %swap3A_21 = vector.load %arg4[%swap3A, %swap3A_20] : memref<2560x128xf32, #tpu.memory_space<vmem>>, vector<2560x128xf32>
    tpu.vector_store %arg4[%swap3A, %swap3A_20], %mul3A_19 {strides = array<i32>} : memref<2560x128xf32, #tpu.memory_space<vmem>>, vector<2560x128xf32>,
    return
  }
  func.func @transform_0(%arg0: i32) -> (i32, i32) {
    %c0_i32 = arith.constant 0 : i32
    %c0_i32_0 = arith.constant 0 : i32
    return %arg0, %c0_i32 : i32, i32
  }
  func.func @transform_1(%arg0: i32) -> (i32, i32) {
    %c0_i32 = arith.constant 0 : i32
    %c0_i32_0 = arith.constant 0 : i32
    %c0_i32_1 = arith.constant 0 : i32
    return %c0_i32, %c0_i32_0 : i32, i32
  }
  func.func @transform_2(%arg0: i32) -> (i32, i32, i32) {
    %c0_i32 = arith.constant 0 : i32
    %c0_i32_0 = arith.constant 0 : i32
    %c0_i32_1 = arith.constant 0 : i32
    return %c0_i32, %arg0, %c0_i32_0 : i32, i32, i32
  }
  func.func @transform_3(%arg0: i32) -> (i32, i32) {
    %c0_i32 = arith.constant 0 : i32
    %c0_i32_0 = arith.constant 0 : i32
    return %arg0, %c0_i32 : i32, i32
  }
}

module attributes {stable_mosaic.version = 14 : i64} {
  func.func @body(%arg0: i32, %arg1: memref<2560x128xf32, #tpu.memory_space<vmem>>, %arg2: memref<2x2560x16xf32, #tpu.memory_space<vmem>>, %arg3: memref<1x128xf32, #tpu.memory_space<vmem>>, %arg4: memref<128x128xf32, #tpu.memory_space<vmem>>, %arg5: memref<2560x128xf32, #tpu.memory_space<vmem>>) attributes {dimension_semantics = [#tpu.dimension_semantics<arbitrary>], iteration_bounds = array<i64: 4>, scalar_prefetch = 0 : i64, scratch_operands = 0 : i64, tpu.core_type = #tpu.core_type<tc>, window_params = [{transform_indices = @transform_0, window_bounds = array<i64: 2560, 128>}, {transform_indices = @transform_1, window_bounds = array<i64: 2, 2560, 16>}, {pipeline_mode = #tpu.pipeline_mode<synchronous>, transform_indices = @transform_2, window_bounds = array<i64: 1, 128>}, {pipeline_mode = #tpu.pipeline_mode<synchronous>, transform_indices = @transform_3, window_bounds = array<i64: 128, 128>}, {transform_indices = @transform_4, window_bounds = array<i64: 2560, 128>}]} {
    %get3A = arith.constant 0 : index
    %get3A_0 = arith.constant 0 : index
    %get3A_1 = arith.constant 0 : index
    %get3A_2 = vector.load %arg2[%get3A, %get3A_0, %get3A_1] : memref<2x2560x16xf32, #tpu.memory_space<vmem>>, vector<1x2560x16xf32>
    %get3A_3 = vector.shape_cast %get3A_2 : vector<1x2560x16xf32> to vector<2560x16xf32>
    %get3A_4 = arith.constant 1 : index
    %get3A_5 = arith.constant 0 : index
    %get3A_6 = arith.constant 0 : index
    %get3A_7 = vector.load %arg2[%get3A_4, %get3A_5, %get3A_6] : memref<2x2560x16xf32, #tpu.memory_space<vmem>>, vector<1x2560x16xf32>
    %get3A_8 = vector.shape_cast %get3A_7 : vector<1x2560x16xf32> to vector<2560x16xf32>
    %add3A = arith.addf %get3A_3, %get3A_8 : vector<2560x16xf32>
    %slice3A = vector.extract_strided_slice %add3A {offsets = [0, 0], sizes = [2560, 1], strides = [1, 1]} : vector<2560x16xf32> to vector<2560x1xf32>
    %add3A_9 = arith.constant 1.000000e+00 : f32
    %add3A_10 = vector.broadcast %add3A_9 : f32 to vector<2560x1xf32>
    %add3A_11 = arith.addf %slice3A, %add3A_10 : vector<2560x1xf32>
    %rsqrt3A = math.rsqrt %add3A_11 : vector<2560x1xf32>
    %get3A_12 = arith.constant 0 : index
    %get3A_13 = arith.constant 0 : index
    %get3A_14 = vector.load %arg1[%get3A_12, %get3A_13] : memref<2560x128xf32, #tpu.memory_space<vmem>>, vector<2560x128xf32>
    %mul3A = vector.broadcast %rsqrt3A : vector<2560x1xf32> to vector<2560x128xf32>
    %mul3A_15 = arith.mulf %get3A_14, %mul3A : vector<2560x128xf32>
    %get3A_16 = arith.constant 0 : index
    %get3A_17 = arith.constant 0 : index
    %get3A_18 = vector.load %arg3[%get3A_16, %get3A_17] : memref<1x128xf32, #tpu.memory_space<vmem>>, vector<1x128xf32>
    %add3A_19 = vector.broadcast %get3A_18 : vector<1x128xf32> to vector<2560x128xf32>
    %add3A_20 = arith.addf %mul3A_15, %add3A_19 : vector<2560x128xf32>
    %max3A = arith.constant 0.000000e+00 : f32
    %max3A_21 = vector.broadcast %max3A : f32 to vector<2560x128xf32>
    %max3A_22 = arith.maximumf %add3A_20, %max3A_21 : vector<2560x128xf32>
    %get3A_23 = arith.constant 0 : index
    %get3A_24 = arith.constant 0 : index
    %get3A_25 = vector.load %arg4[%get3A_23, %get3A_24] : memref<128x128xf32, #tpu.memory_space<vmem>>, vector<128x128xf32>
    %dot_general3A = arith.constant dense<0.000000e+00> : vector<2560x128xf32>
    %dot_general3A_26 = tpu.matmul %max3A_22, %get3A_25, %dot_general3A {dimension_numbers = #tpu.dot_dimension_numbers<[1], [0], [0], [1], [0, 0, 1, 1], [], []>, transpose_lhs_hint = false} : vector<2560x128xf32>, vector<128x128xf32>, vector<2560x128xf32> -> vector<2560x128xf32>
    %mul3A_27 = vector.broadcast %rsqrt3A : vector<2560x1xf32> to vector<2560x128xf32>
    %mul3A_28 = arith.mulf %dot_general3A_26, %mul3A_27 : vector<2560x128xf32>
    %mul3A_29 = arith.constant 2560 : i32
    %mul3A_30 = arith.muli %arg0, %mul3A_29 : i32
    %iota3A = tpu.iota {dimensions = array<i32: 0>} : vector<2560x1xi32>
    %add3A_31 = vector.broadcast %mul3A_30 : i32 to vector<2560x1xi32>
    %add3A_32 = arith.addi %add3A_31, %iota3A : vector<2560x1xi32>
    %lt3A = arith.constant 10000 : i32
    %lt3A_33 = vector.broadcast %lt3A : i32 to vector<2560x1xi32>
    %lt3A_34 = arith.cmpi slt, %add3A_32, %lt3A_33 : vector<2560x1xi32>
    %jit3A = arith.constant 0.000000e+00 : f32
    %broadcast_in_dim3A = vector.shape_cast %lt3A_34 : vector<2560x1xi1> to vector<2560x1xi1>
    %broadcast_in_dim3A_35 = vector.broadcast %broadcast_in_dim3A : vector<2560x1xi1> to vector<2560x128xi1>
    %broadcast_in_dim3A_36 = vector.broadcast %jit3A : f32 to vector<2560x128xf32>
    %select_n3A = arith.select %broadcast_in_dim3A_35, %mul3A_28, %broadcast_in_dim3A_36 : vector<2560x128xi1>, vector<2560x128xf32>
    %swap3A = arith.constant 0 : index
    %swap3A_37 = arith.constant 0 : index
    %swap3A_38 = vector.load %arg5[%swap3A, %swap3A_37] : memref<2560x128xf32, #tpu.memory_space<vmem>>, vector<2560x128xf32>
    tpu.vector_store %arg5[%swap3A, %swap3A_37], %select_n3A {strides = array<i32>} : memref<2560x128xf32, #tpu.memory_space<vmem>>, vector<2560x128xf32>,
    return
  }
  func.func @transform_0(%arg0: i32) -> (i32, i32) {
    %c0_i32 = arith.constant 0 : i32
    %c0_i32_0 = arith.constant 0 : i32
    return %arg0, %c0_i32 : i32, i32
  }
  func.func @transform_1(%arg0: i32) -> (i32, i32, i32) {
    %c0_i32 = arith.constant 0 : i32
    %c0_i32_0 = arith.constant 0 : i32
    %c0_i32_1 = arith.constant 0 : i32
    return %c0_i32, %arg0, %c0_i32_0 : i32, i32, i32
  }
  func.func @transform_2(%arg0: i32) -> (i32, i32) {
    %c0_i32 = arith.constant 0 : i32
    %c0_i32_0 = arith.constant 0 : i32
    %c0_i32_1 = arith.constant 0 : i32
    return %c0_i32, %c0_i32_0 : i32, i32
  }
  func.func @transform_3(%arg0: i32) -> (i32, i32) {
    %c0_i32 = arith.constant 0 : i32
    %c0_i32_0 = arith.constant 0 : i32
    %c0_i32_1 = arith.constant 0 : i32
    return %c0_i32, %c0_i32_0 : i32, i32
  }
  func.func @transform_4(%arg0: i32) -> (i32, i32) {
    %c0_i32 = arith.constant 0 : i32
    %c0_i32_0 = arith.constant 0 : i32
    return %arg0, %c0_i32 : i32, i32
  }
}

module attributes {stable_mosaic.version = 14 : i64} {
  func.func @body(%arg0: i32, %arg1: memref<2560x128xf32, #tpu.memory_space<vmem>>, %arg2: memref<2x2560x16xf32, #tpu.memory_space<vmem>>, %arg3: memref<1x128xf32, #tpu.memory_space<vmem>>, %arg4: memref<2560x128xf32, #tpu.memory_space<vmem>>) attributes {dimension_semantics = [#tpu.dimension_semantics<arbitrary>], iteration_bounds = array<i64: 4>, scalar_prefetch = 0 : i64, scratch_operands = 0 : i64, tpu.core_type = #tpu.core_type<tc>, window_params = [{transform_indices = @transform_0, window_bounds = array<i64: 2560, 128>}, {transform_indices = @transform_1, window_bounds = array<i64: 2, 2560, 16>}, {pipeline_mode = #tpu.pipeline_mode<synchronous>, transform_indices = @transform_2, window_bounds = array<i64: 1, 128>}, {transform_indices = @transform_3, window_bounds = array<i64: 2560, 128>}]} {
    %get3A = arith.constant 0 : index
    %get3A_0 = arith.constant 0 : index
    %get3A_1 = arith.constant 0 : index
    %get3A_2 = vector.load %arg2[%get3A, %get3A_0, %get3A_1] : memref<2x2560x16xf32, #tpu.memory_space<vmem>>, vector<1x2560x16xf32>
    %get3A_3 = vector.shape_cast %get3A_2 : vector<1x2560x16xf32> to vector<2560x16xf32>
    %get3A_4 = arith.constant 1 : index
    %get3A_5 = arith.constant 0 : index
    %get3A_6 = arith.constant 0 : index
    %get3A_7 = vector.load %arg2[%get3A_4, %get3A_5, %get3A_6] : memref<2x2560x16xf32, #tpu.memory_space<vmem>>, vector<1x2560x16xf32>
    %get3A_8 = vector.shape_cast %get3A_7 : vector<1x2560x16xf32> to vector<2560x16xf32>
    %add3A = arith.addf %get3A_3, %get3A_8 : vector<2560x16xf32>
    %slice3A = vector.extract_strided_slice %add3A {offsets = [0, 0], sizes = [2560, 1], strides = [1, 1]} : vector<2560x16xf32> to vector<2560x1xf32>
    %add3A_9 = arith.constant 1.000000e+00 : f32
    %add3A_10 = vector.broadcast %add3A_9 : f32 to vector<2560x1xf32>
    %add3A_11 = arith.addf %slice3A, %add3A_10 : vector<2560x1xf32>
    %rsqrt3A = math.rsqrt %add3A_11 : vector<2560x1xf32>
    %get3A_12 = arith.constant 0 : index
    %get3A_13 = arith.constant 0 : index
    %get3A_14 = vector.load %arg1[%get3A_12, %get3A_13] : memref<2560x128xf32, #tpu.memory_space<vmem>>, vector<2560x128xf32>
    %mul3A = vector.broadcast %rsqrt3A : vector<2560x1xf32> to vector<2560x128xf32>
    %mul3A_15 = arith.mulf %get3A_14, %mul3A : vector<2560x128xf32>
    %get3A_16 = arith.constant 0 : index
    %get3A_17 = arith.constant 0 : index
    %get3A_18 = vector.load %arg3[%get3A_16, %get3A_17] : memref<1x128xf32, #tpu.memory_space<vmem>>, vector<1x128xf32>
    %add3A_19 = vector.broadcast %get3A_18 : vector<1x128xf32> to vector<2560x128xf32>
    %add3A_20 = arith.addf %mul3A_15, %add3A_19 : vector<2560x128xf32>
    %swap3A = arith.constant 0 : index
    %swap3A_21 = arith.constant 0 : index
    %swap3A_22 = vector.load %arg4[%swap3A, %swap3A_21] : memref<2560x128xf32, #tpu.memory_space<vmem>>, vector<2560x128xf32>
    tpu.vector_store %arg4[%swap3A, %swap3A_21], %add3A_20 {strides = array<i32>} : memref<2560x128xf32, #tpu.memory_space<vmem>>, vector<2560x128xf32>,
    return
  }
  func.func @transform_0(%arg0: i32) -> (i32, i32) {
    %c0_i32 = arith.constant 0 : i32
    %c0_i32_0 = arith.constant 0 : i32
    return %arg0, %c0_i32 : i32, i32
  }
  func.func @transform_1(%arg0: i32) -> (i32, i32, i32) {
    %c0_i32 = arith.constant 0 : i32
    %c0_i32_0 = arith.constant 0 : i32
    %c0_i32_1 = arith.constant 0 : i32
    return %c0_i32, %arg0, %c0_i32_0 : i32, i32, i32
  }
  func.func @transform_2(%arg0: i32) -> (i32, i32) {
    %c0_i32 = arith.constant 0 : i32
    %c0_i32_0 = arith.constant 0 : i32
    %c0_i32_1 = arith.constant 0 : i32
    return %c0_i32, %c0_i32_0 : i32, i32
  }
  func.func @transform_3(%arg0: i32) -> (i32, i32) {
    %c0_i32 = arith.constant 0 : i32
    %c0_i32_0 = arith.constant 0 : i32
    return %arg0, %c0_i32 : i32, i32
  }
}

</mosaic_0001>

<sc_bundles>
// kernel: kernel.11.cloned.1.call-start
scs
__scs_entry_jumppad:
0x0: {  	(pc) =	sbr.rel $0x88, $3  }
0x1: {  	(tag) =	ssettag $0x0;
	lr =	simm.s32 $0x1  }
0x2: {  	[smem:$0x3F9B] =	sst lr;
	_ =	strace $0xD0000000  }
0x3: {  	_ = 	snop  }
0x4: {  	_ = 	snop  }
0x5: {  	_ = 	snop  }
0x6: {  	_ = 	snop  }
0x7: {  	_ = 	snop  }
__scs_overlays_trampoline_lowered:
0x8: {  	[smem:$0x3FAA] =	sst s0  }
0x9: {  	[smem:$0x3FAB] =	sst s1  }
0xa: {  	[smem:$0x3FAC] =	sst s2  }
0xb: {  	[smem:$0x3FAD] =	sst s3  }
0xc: {  	[smem:$0x3FAE] =	sst s4  }
0xd: {  	[smem:$0x3FAF] =	sst s5  }
0xe: {  	[smem:$0x3FB0] =	sst s6  }
0xf: {  	[smem:$0x3FB1] =	sst s7  }
0x10: {  	[smem:$0x3FB2] =	sst s8  }
0x11: {  	[smem:$0x3FB3] =	sst s9;
	s0 =	simm.s32 @!p0 $0x0  }
0x12: {  	s1 =	sld [smem:$0x3F99];
	s0 =	simm.s32 @p0 $0x1  }
0x13: {  	[smem:$0x3FB4] =	sst s0;
	s0 =	simm.s32 @!p1 $0x0  }
0x14: {  	s2 =	sld [smem:$0x3F98];
	s0 =	simm.s32 @p1 $0x1  }
0x15: {  	[smem:$0x3FB5] =	sst s0;
	s0 =	simm.s32 @!p2 $0x0  }
0x16: {  	s3 =	sld [smem:$0x3FDB];
	s0 =	simm.s32 @p2 $0x1  }
0x17: {  	s4 =	simm.s32 $0x1BF5;
	[smem:$0x3FB7] =	sst s0  }
0x18: {  	s0 =	sld [smem:$0x3F9A];
	_ =	swait.ge [sflag:s4], $0x0  }
0x19: {  	s7 =	sld [smem:$0x3F9B]  }
0x1a: {  	s8 =	sadd.s32 $0xFFFFE003, lr  }
0x1b: {  	s9 =	sadd.s32 $0xFFFFFEF7, lr;
	s5 =	simm.s32 $0xFFFFFFFF;
	p2 =	slt.u32 s8, $0xFFFFF086  }
0x1c: {  	p1 =	slt.u32 s9, $0xF7A;
	s5 =	simm.s32 @!p2 $0x0  }
0x1d: {  	s5 =	simm.s32 @p1 $0x1;
	p0 =	seq.s32 s7, s2  }
0x1e: {  	s7 =	smul.u32 @!p0 $0xF7A, s2;
	p2 =	seq.s32 @!p0 s5, $0x0  }
0x1f: {  	s9 =	smul.u32 $0xF7A, s1;
	s8 =	simm.s32 @!p0 $0x1BF5;
	p2 =	por !p2, p0  }
0x20: {  	[sflag:s8] =	ssyncset.s32 @!p0 $0xFFFFF086;
	s6 =	sadd.s32 @!p0 s3, s7;
	s7 =	simm.s32 @!p0 $0x108  }
0x21: {  	s3 =	sadd.s32 s3, s9;
	s6 =	sadd.s32 @!p0 $0x88, s6;
	s7 =	simm.s32 @p2 $0x1082  }
0x22: {  	[simem:s7], [sflag:s8] =	dma.local @!p0 [hbm:s6], $0xF7A  }
0x23: {  	s9 =	sor.u32 $0xD0000000, s2;
	s6 =	simm.s32 $0x108;
	_ =	swait.ge @!p0 [sflag:s8], $0x0  }
0x24: {  	s3 =	sadd.s32 $0x88, s3;
	s6 =	simm.s32 @!p1 $0x1082;
	[sflag:s4] =	ssyncset.s32 $0xFFFFF086  }
0x25: {  	[simem:s6], [sflag:s4] =	dma.local [hbm:s3], $0xF7A  }
0x26: {  	[smem:$0x3F9B] =	sst s1;
	(tag) =	ssettag s2;
	_ =	strace s9  }
0x27: {  	s1 =	sld [smem:$0x3FAB]  }
0x28: {  	s2 =	sld [smem:$0x3FAC]  }
0x29: {  	s4 =	sld [smem:$0x3FAE]  }
0x2a: {  	p0 =	seq.s32 s5, $0x0;
	s5 =	sld [smem:$0x3FAF]  }
0x2b: {  	s6 =	sld [smem:$0x3FB0]  }
0x2c: {  	s7 =	sld [smem:$0x3FB1]  }
0x2d: {  	s3 =	simm.s32 $0x108;
	s8 =	sld [smem:$0x3FB2]  }
0x2e: {  	s3 =	simm.s32 @!p0 $0x1082;
	s9 =	sld [smem:$0x3FB3]  }
0x2f: {  	lr =	sadd.s32 s0, s3;
	s0 =	sld [smem:$0x3FAA]  }
0x30: {  	s3 =	sld [smem:$0x3FAD]  }
0x31: {  	[smem:$0x3FB6] =	sst s10  }
0x32: {  	s10 =	sld [smem:$0x3FB4];
	_ =	sdelay $0x3  }
0x33: {  	p0 =	seq.s32 s10, $0x1;
	s10 =	sld [smem:$0x3FB6];
	_ =	sdelay $0x3  }
0x34: {  	[smem:$0x3FB6] =	sst s10  }
0x35: {  	s10 =	sld [smem:$0x3FB5];
	_ =	sdelay $0x3  }
0x36: {  	p1 =	seq.s32 s10, $0x1;
	s10 =	sld [smem:$0x3FB6];
	_ =	sdelay $0x3  }
0x37: {  	[smem:$0x3FB6] =	sst s10  }
0x38: {  	s10 =	sld [smem:$0x3FB7]  }
0x39: {  	_ = 	snop;
	(pc) =	sbr.ind lr, $3  }
0x3a: {  	_ = 	snop  }
0x3b: {  	_ = 	snop  }
0x3c: {  	p2 =	seq.s32 s10, $0x1;
	s10 =	sld [smem:$0x3FB6]  }
0x3d: {  	_ =	shalt  }
0x3e: {  	_ =	shalt  }
0x3f: {  	_ =	shalt  }
0x40: {  	_ =	shalt  }
0x41: {  	_ =	shalt  }
0x42: {  	_ =	shalt  }
0x43: {  	_ =	shalt  }
0x44: {  	_ =	shalt  }
0x45: {  	_ =	shalt  }
0x46: {  	_ =	shalt  }
0x47: {  	_ =	shalt  }
0x48: {  	_ =	shalt  }
0x49: {  	_ =	shalt  }
0x4a: {  	_ =	shalt  }
0x4b: {  	_ =	shalt  }
0x4c: {  	_ =	shalt  }
0x4d: {  	_ =	shalt  }
0x4e: {  	_ =	shalt  }
0x4f: {  	_ =	shalt  }
0x50: {  	_ =	shalt  }
0x51: {  	_ =	shalt  }
0x52: {  	_ =	shalt  }
0x53: {  	_ =	shalt  }
0x54: {  	_ =	shalt  }
0x55: {  	_ =	shalt  }
0x56: {  	_ =	shalt  }
0x57: {  	_ =	shalt  }
0x58: {  	_ =	shalt  }
0x59: {  	_ =	shalt  }
0x5a: {  	_ =	shalt  }
0x5b: {  	_ =	shalt  }
0x5c: {  	_ =	shalt  }
0x5d: {  	_ =	shalt  }
0x5e: {  	_ =	shalt  }
0x5f: {  	_ =	shalt  }
0x60: {  	_ =	shalt  }
0x61: {  	_ =	shalt  }
0x62: {  	_ =	shalt  }
0x63: {  	_ =	shalt  }
0x64: {  	_ =	shalt  }
0x65: {  	_ =	shalt  }
0x66: {  	_ =	shalt  }
0x67: {  	_ =	shalt  }
0x68: {  	_ =	shalt  }
0x69: {  	_ =	shalt  }
0x6a: {  	_ =	shalt  }
0x6b: {  	_ =	shalt  }
0x6c: {  	_ =	shalt  }
0x6d: {  	_ =	shalt  }
0x6e: {  	_ =	shalt  }
0x6f: {  	_ =	shalt  }
0x70: {  	_ =	shalt  }
0x71: {  	_ =	shalt  }
0x72: {  	_ =	shalt  }
0x73: {  	_ =	shalt  }
0x74: {  	_ =	shalt  }
0x75: {  	_ =	shalt  }
0x76: {  	_ =	shalt  }
0x77: {  	_ =	shalt  }
0x78: {  	_ =	shalt  }
0x79: {  	_ =	shalt  }
0x7a: {  	_ =	shalt  }
0x7b: {  	_ =	shalt  }
0x7c: {  	_ =	shalt  }
0x7d: {  	_ =	shalt  }
0x7e: {  	_ =	shalt  }
0x7f: {  	_ =	shalt  }
0x80: {  	_ =	shalt  }
0x81: {  	_ =	shalt  }
0x82: {  	_ =	shalt  }
0x83: {  	_ =	shalt  }
0x84: {  	_ =	shalt  }
0x85: {  	_ =	shalt  }
0x86: {  	_ =	shalt  }
0x87: {  	_ =	shalt  }
.Lfunc_end0:
.L_simem_size_0:
called_computation.1_lowered:
.L_overlay_start_0:
0x88: {  	s2 =	sld [smem:$0x3FD9]  }
0x89: {  	s3 =	sld [smem:$0x3FFE];
	_ =	sdelay $0x1  }
0x8a: {  	s1 =	srdreg.scid  }
0x8b: {  	s0 =	sand.u32 $0x1, s1  }
0x8c: {  	s16 =	sshll.u32 s0, $0xA;
	s2 =	sadd.s32 s3, s2  }
0x8d: {  	s2 =	sadd.s32 s2, s16  }
0x8e: {  	[smem:$0x3FC2] =	sst s2  }
0x8f: {  	_ = 	snop  }
0x90: {  	(tm) =	ssettm $0x1  }
0x91: {  	s17 =	sld [smem:$0x3FFB];
	_ =	sdelay $0x3  }
0x92: {  	_ =	strace s17  }
0x93: {  	s2 =	sld [smem:$0x3FFC];
	_ =	sdelay $0x3  }
0x94: {  	_ =	strace s2  }
0x95: {  	s2 =	sld [smem:$0x3FFD];
	_ =	sdelay $0x3  }
0x96: {  	_ =	strace s2  }
0x97: {  	_ =	strace $0x8FFFFFFF  }
0x98: {  	s18 =	sld [smem:$0x3FDB];
	_ =	sdelay $0x1  }
0x99: {  	s19 =	simm.s32 $_scs_section_size  }
0x9a: {  	s4 =	simm.s32 $_size__tile_overlayer_lowered;
	s5 =	simm.s32 $_tile_overlayer_lowered  }
0x9b: {  	s22 =	simm.s32 $0x1BFF;
	s21 =	sshll.u32 s5, $0x1;
	s2 =	sadd.s32 s19, s18  }
0x9c: {  	s6 =	simm.s32 $0x0;
	s20 =	sshll.u32 s4, $0x1;
	s4 =	sadd.s32 s21, s2  }
0x9d: {  	[timem:s6], [sflag:s22] =	dma.local [hbm:s4], s20  }
0x9e: {  	_ =	swait.ge [sflag:s22], s20  }
0x9f: {  	s3 =	ssub.s32 $0x0, s20;
	[sflag:s22] =	ssyncset.done $0x0  }
0xa0: {  	[sflag:s22] =	ssyncadd.s32 s3;
	_ =	sdelay $0x1  }
0xa1: {  	s23 =	simm.s32 $0x1B8B  }
0xa2: {  	_ =	swait.ge [sflag:s23], $0x1  }
0xa3: {  	[sflag:s23] =	ssyncset.done $0x0  }
0xa4: {  	s25 =	simm.s32 $0x1B8E;
	s24 =	sld [smem:$0x3FFE];
	[sflag:s23] =	ssyncadd.s32 $0xFFFFFFFF  }
0xa5: {  	s26 =	simm.s32 $execute0_lowered;
	[smem:$0x3FD2] =	sst s25  }
0xa6: {  	s4 =	sshll.u32 s26, $0x1;
	_ =	strace $0x80000049;
	[dreg:$0x1] =	wrdreg $0xFFFFFFFF  }
0xa7: {  	s28 =	simm.s32 $_size_execute0_lowered;
	s2 =	sadd.s32 s2, s4;
	[dreg:$0x0] =	wrdreg $0x0  }
0xa8: {  	s4 =	sshll.u32 s28, $0x1;
	[dreg:$0x2] =	wrdreg s2  }
0xa9: {  	[dreg:$0x3] =	wrdreg s4  }
0xaa: {  	[dreg:$0x4] =	wrdreg $0xC0  }
0xab: {  	_ =	task [dreg:s6], $0x5FFFF  }
0xac: {  	[dreg:$0x1] =	wrdreg $0xFFFFFFFF  }
0xad: {  	[dreg:$0x0] =	wrdreg $0x60  }
0xae: {  	[dreg:$0x2] =	wrdreg s24  }
0xaf: {  	[dreg:$0x3] =	wrdreg $0x11000  }
0xb0: {  	[dreg:$0x4] =	wrdreg $0x9  }
0xb1: {  	_ =	task.clear_ibuf [dreg:s6], $0x5FFFF;
	_ =	strace $0x90000049  }
0xb2: {  	s29 =	simm.s32 $0x9;
	_ =	strace $0x8000004B  }
0xb3: {  	_ =	swait.ge [sflag:s29], $0x1  }
0xb4: {  	[sflag:s29] =	ssyncadd.s32 $0xFFFFFFFF  }
0xb5: {  	_ =	strace $0x9000004B  }
0xb6: {  	_ =	sfence  }
0xb7: {  	s30 =	sld [smem:$0x0];
	_ =	sdelay $0x2  }
0xb8: {  	s31 =	sshll.u32 s1, $0xD;
	s1 =	sshrl.u32 s1, $0x2  }
0xb9: {  	s3 =	sand.u32 $0x4000, s31;
	s1 =	sadd.s32 s1, s30  }
0xba: {  	s0 =	sor.u32 s3, s0;
	s1 =	sshll.u32 s1, $0x11  }
0xbb: {  	s0 =	sor.u32 s1, s0  }
0xbc: {  	s0 =	sadd.s32 $0x8F2B, s0  }
0xbd: {  	[sflag:s0] =	ssyncadd.remote.s32 $0x1  }
0xbe: {  	_ =	sfence.sel $0xFFFF  }
0xbf: {  	[dreg:$0x0] =	wrdreg $0xFFFFFFFF;
	(pc) =	sbr.abs _section_cstart, $3  }
0xc0: {  	[dreg:$0x1] =	wrdreg $0xFFFFFFFF  }
0xc1: {  	_ =	task.clear_ibuf [dreg:s6], $0x2FFFF;
	_ =	strace $0x9FFFFFFF  }
0xc2: {  	(tm) =	ssettm $0x7FFFFFFF  }
0xc3: {  	_ =	shalt  }
tec
execute0_lowered:
.L_overlay_start_1:
0x0: {  	(tag) =	ssettag $0x1  }
0x1: {  	s4 =	rddreg [dreg:$0x0]  }
0x2: {  	s1 =	rddreg [dreg:$0x1]  }
0x3: {  	s0 =	rddreg [dreg:$0x2]  }
0x4: {  	s2 =	simm.s32 $0x0;
	s5 =	srdreg.scid;
	s18 =	stileid.u32  }
0x5: {  	s17 =	simm.s32 $0x100;
	[smem:$0x7FF] =	sst s2;
	s3 =	sadd.s32 $0x2600, s4  }
0x6: {  	s5 =	sand.u32 $0x1, s5;
	s11 =	sadd.s32 $0xA1800, s4;
	s15 =	smul.u32 $0x271, s18  }
0x7: {  	s12 =	sadd.s32 $0x13DC00, s4;
	s10 =	sadd.s32 $0x2A600, s4;
	s16 =	smul.u32 $0x2710, s18  }
0x8: {  	p0 =	sne.s32 s18, $0x0;
	p1 =	seq.s32 s18, $0x0;
	s6 =	smul.u32 $0x14000, s5  }
0x9: {  	s18 =	simm.s32 $0x0;
	s8 =	ssub.s32 $0x2, s5;
	s13 =	smul.u32 $0x4E200, s5  }
0xa: {  	s7 =	sshllo.u32 s5, $0x1;
	s14 =	smul.u32 $0x4E20, s5;
	s26 =	sshrl.u32 s8, $0x1  }
0xb: {  	_ =	strace $0x8000004A;
	s9 =	smul.u32 $0xA000, s7;
	s28 =	ssub.s32 s8, s26  }
0xc: {  	s4 =	sadd.s32 s3, s6;
	s5 =	sadd.s32 s10, s6;
	s29 =	sadd.s32 s13, s11  }
0xd: {  	s30 =	sadd.s32 s15, s14;
	s13 =	sadd.s32 s13, s12;
	s15 =	simm.s32 $0x80  }
0xe: {  	s6 =	sadd.s32 s3, s9;
	s7 =	smax.u32 s28, $0x1;
	s8 =	sadd.s32 s10, s9  }
0xf: {  	s9 =	sadd.s32 s16, s29;
	s14 =	sshll.u32 s30, $0x4;
	s10 =	sadd.s32 s16, s13  }
0x10: {  	s13 =	sshrl.u32 @!p0 s1, $0x3;
	s16 =	simm.s32 $0x20;
	s31 =	sadd.s32 $0x27100, s14  }
0x11: {  	s14 =	simm.s32 $0x1;
	s11 =	sadd.s32 s31, s11;
	s12 =	sadd.s32 s31, s12  }
.LBB2_1:
0x12: {  	s19 =	simm.s32 @!p0 $0x1C01  }
0x13: {  	[spmem:s13], [sflag:s19] =	dma.local @!p0 [hbm:s4], $0xA000  }
0x14: {  	s19 =	simm.s32 @!p0 $0x1  }
0x15: {  	_ =	swait.ge @!p0 [sflag:s19], $0xA000  }
0x16: {  	[sflag:s19] =	ssyncset.done @!p0 $0x0  }
0x17: {  	[sflag:s19] =	ssyncadd.s32 @!p0 $0xFFFF6000  }
0x18: {  	s30 =	sadd.s32 $0x0, s9;
	[bflag:$0x0] =	sbarrier.arrive $0xFFFF  }
0x19: {  	[tilespmem:s2], [sflag:$0x1] =	stream.linear.gather [hbm4b:s30+s2], $0x80, $0x38;
	[tilespmem:$0x6100] =	vst v63  }
0x1a: {  	_ =	swait.ge [sflag:s14], $0x80  }
0x1b: {  	[sflag:s14] =	ssyncset.done $0x0  }
0x1c: {  	s31 =	sadd.s32 $0x0, s10;
	[sflag:s14] =	ssyncadd.s32 $0xFFFFFF80  }
0x1d: {  	[tilespmem:s15], [sflag:$0x1] =	stream.linear.gather [hbm4b:s31+s2], $0x80, $0x38;
	[tilespmem:$0x6100] =	vst v63  }
0x1e: {  	_ =	swait.ge [sflag:s14], $0x80  }
0x1f: {  	[sflag:s14] =	ssyncset.done $0x0  }
0x20: {  	[sflag:s14] =	ssyncadd.s32 $0xFFFFFF80  }
0x21: {  	[tilespmem:s17], [sflag:$0x1] =	stream.indirect.gather [hbm4b:s3+s16], $0x80, s2, s16, $0xb8;
	[tilespmem:$0x6100] =	vst v63  }
0x22: {  	_ =	swait.ge [sflag:s14], $0x1000  }
0x23: {  	[sflag:s14] =	ssyncset.done $0x0  }
0x24: {  	[sflag:s14] =	ssyncadd.s32 $0xFFFFF000  }
0x25: {  	[spmem:s1] =	stream.indirect.scatter.add.f32 [tilespmem:s17], [sflag:$0x1], $0x80, s15, s16, $0xb8;
	[tilespmem:$0x6100] =	vst v63  }
0x26: {  	_ =	swait.ge [sflag:s14], $0x1000  }
0x27: {  	s20 =	simm.s32 $0x20;
	s19 =	simm.s32 $0x10;
	[sflag:s14] =	ssyncset.done $0x0  }
.LBB2_2:
0x28: {  	s21 =	sadd.s32 s19, s9  }
0x29: {  	[sflag:s14] =	ssyncadd.s32 $0xFFFFF000;
	s22 =	smov.u32 s20;
	s23 =	sadd.s32 $0x10, s20  }
0x2a: {  	[tilespmem:s2], [sflag:$0x1] =	stream.linear.gather [hbm4b:s21+s2], $0x80, $0x38;
	[tilespmem:$0x6100] =	vst v63  }
0x2b: {  	p2 =	sne.s32 s20, $0x2700;
	_ =	swait.ge [sflag:s14], $0x80  }
0x2c: {  	[sflag:s14] =	ssyncset.done $0x0  }
0x2d: {  	s20 =	sadd.s32 s19, s10;
	s19 =	smov.u32 s22;
	[sflag:s14] =	ssyncadd.s32 $0xFFFFFF80  }
0x2e: {  	[tilespmem:s15], [sflag:$0x1] =	stream.linear.gather [hbm4b:s20+s2], $0x80, $0x38;
	[tilespmem:$0x6100] =	vst v63  }
0x2f: {  	_ =	swait.ge [sflag:s14], $0x80  }
0x30: {  	[sflag:s14] =	ssyncset.done $0x0  }
0x31: {  	[sflag:s14] =	ssyncadd.s32 $0xFFFFFF80  }
0x32: {  	[tilespmem:s17], [sflag:$0x1] =	stream.indirect.gather [hbm4b:s3+s16], $0x80, s2, s16, $0xb8;
	[tilespmem:$0x6100] =	vst v63  }
0x33: {  	_ =	swait.ge [sflag:s14], $0x1000  }
.Ltmp0:
0x34: {  	[sflag:s14] =	ssyncset.done $0x0;
	(pc) =	sbr.rel @p2 .LBB2_2-.Ltmp0, $4  }
0x35: {  	[sflag:s14] =	ssyncadd.s32 $0xFFFFF000  }
0x36: {  	[spmem:s1] =	stream.indirect.scatter.add.f32 [tilespmem:s17], [sflag:$0x1], $0x80, s15, s16, $0xb8;
	[tilespmem:$0x6100] =	vst v63  }
0x37: {  	_ =	swait.ge [sflag:s14], $0x1000  }
0x38: {  	s20 =	smov.u32 s23;
	[sflag:s14] =	ssyncset.done $0x0  }
0x39: {  	s20 =	sadd.s32 s19, s9;
	[sflag:s14] =	ssyncadd.s32 $0xFFFFF000  }
0x3a: {  	[tilespmem:s2], [sflag:$0x1] =	stream.linear.gather [hbm4b:s20+s2], $0x80, $0x38;
	[tilespmem:$0x6100] =	vst v63  }
0x3b: {  	_ =	swait.ge [sflag:s14], $0x80  }
0x3c: {  	[sflag:s14] =	ssyncset.done $0x0  }
0x3d: {  	s29 =	sadd.s32 s19, s10;
	[sflag:s14] =	ssyncadd.s32 $0xFFFFFF80  }
0x3e: {  	[tilespmem:s15], [sflag:$0x1] =	stream.linear.gather [hbm4b:s29+s2], $0x80, $0x38;
	[tilespmem:$0x6100] =	vst v63  }
0x3f: {  	_ =	swait.ge [sflag:s14], $0x80  }
0x40: {  	[sflag:s14] =	ssyncset.done $0x0  }
0x41: {  	[sflag:s14] =	ssyncadd.s32 $0xFFFFFF80  }
0x42: {  	[tilespmem:s17], [sflag:$0x1] =	stream.indirect.gather [hbm4b:s3+s16], $0x80, s2, s16, $0xb8;
	[tilespmem:$0x6100] =	vst v63  }
0x43: {  	_ =	swait.ge [sflag:s14], $0x1000  }
0x44: {  	[sflag:s14] =	ssyncset.done $0x0  }
0x45: {  	[sflag:s14] =	ssyncadd.s32 $0xFFFFF000  }
0x46: {  	[spmem:s1] =	stream.indirect.scatter.add.f32 [tilespmem:s17], [sflag:$0x1], $0x80, s15, s16, $0xb8;
	[tilespmem:$0x6100] =	vst v63  }
0x47: {  	_ =	swait.ge [sflag:s14], $0x1000  }
0x48: {  	[sflag:s14] =	ssyncset.done $0x0  }
0x49: {  	s19 =	sshrl.u32 @p1 s1, $0x3;
	[sflag:s14] =	ssyncadd.s32 $0xFFFFF000  }
0x4a: {  	s21 =	simm.s32 @p1 $0x1;
	s20 =	simm.s32 @p1 $0x1C01;
	[bflag:$0x0] =	sbarrier.arrive $0xFFFF  }
0x4b: {  	[hbm:s5], [sflag:s20] =	dma.local @p1 [spmem:s19], $0xA000  }
0x4c: {  	_ =	swait.ge @p1 [sflag:s21], $0xA000  }
0x4d: {  	[sflag:s21] =	ssyncset.done @p1 $0x0  }
0x4e: {  	[sflag:s21] =	ssyncadd.s32 @p1 $0xFFFF6000  }
0x4f: {  	[bflag:$0x0] =	sbarrier.arrive @p1 $0xFFFF  }
0x50: {  	[spmem:s19], [sflag:s20] =	dma.local @p1 [hbm:s6], $0xA000  }
0x51: {  	_ =	swait.ge @p1 [sflag:s21], $0xA000  }
0x52: {  	[sflag:s21] =	ssyncset.done @p1 $0x0  }
0x53: {  	[sflag:s21] =	ssyncadd.s32 @p1 $0xFFFF6000  }
0x54: {  	[bflag:$0x0] =	sbarrier.arrive @!p1 $0xFFFF  }
0x55: {  	s30 =	sadd.s32 $0x0, s11;
	[bflag:$0x0] =	sbarrier.arrive $0xFFFF  }
0x56: {  	[tilespmem:s2], [sflag:$0x1] =	stream.linear.gather [hbm4b:s30+s2], $0x80, $0x38;
	[tilespmem:$0x6100] =	vst v63  }
0x57: {  	_ =	swait.ge [sflag:s14], $0x80  }
0x58: {  	[sflag:s14] =	ssyncset.done $0x0  }
0x59: {  	s31 =	sadd.s32 $0x0, s12;
	[sflag:s14] =	ssyncadd.s32 $0xFFFFFF80  }
0x5a: {  	[tilespmem:s15], [sflag:$0x1] =	stream.linear.gather [hbm4b:s31+s2], $0x80, $0x38;
	[tilespmem:$0x6100] =	vst v63  }
0x5b: {  	_ =	swait.ge [sflag:s14], $0x80  }
0x5c: {  	[sflag:s14] =	ssyncset.done $0x0  }
0x5d: {  	[sflag:s14] =	ssyncadd.s32 $0xFFFFFF80  }
0x5e: {  	[tilespmem:s17], [sflag:$0x1] =	stream.indirect.gather [hbm4b:s3+s16], $0x80, s2, s16, $0xb8;
	[tilespmem:$0x6100] =	vst v63  }
0x5f: {  	_ =	swait.ge [sflag:s14], $0x1000  }
0x60: {  	[sflag:s14] =	ssyncset.done $0x0  }
0x61: {  	[sflag:s14] =	ssyncadd.s32 $0xFFFFF000  }
0x62: {  	[spmem:s1] =	stream.indirect.scatter.add.f32 [tilespmem:s17], [sflag:$0x1], $0x80, s15, s16, $0xb8;
	[tilespmem:$0x6100] =	vst v63  }
0x63: {  	_ =	swait.ge [sflag:s14], $0x1000  }
0x64: {  	s19 =	simm.s32 $0x10;
	s20 =	simm.s32 $0x20;
	[sflag:s14] =	ssyncset.done $0x0  }
.LBB2_4:
0x65: {  	s21 =	sadd.s32 s19, s11  }
0x66: {  	[sflag:s14] =	ssyncadd.s32 $0xFFFFF000;
	s22 =	smov.u32 s20;
	s23 =	sadd.s32 $0x10, s20  }
0x67: {  	[tilespmem:s2], [sflag:$0x1] =	stream.linear.gather [hbm4b:s21+s2], $0x80, $0x38;
	[tilespmem:$0x6100] =	vst v63  }
0x68: {  	p2 =	sne.s32 s20, $0x2700;
	_ =	swait.ge [sflag:s14], $0x80  }
0x69: {  	[sflag:s14] =	ssyncset.done $0x0  }
0x6a: {  	s20 =	sadd.s32 s19, s12;
	s19 =	smov.u32 s22;
	[sflag:s14] =	ssyncadd.s32 $0xFFFFFF80  }
0x6b: {  	[tilespmem:s15], [sflag:$0x1] =	stream.linear.gather [hbm4b:s20+s2], $0x80, $0x38;
	[tilespmem:$0x6100] =	vst v63  }
0x6c: {  	_ =	swait.ge [sflag:s14], $0x80  }
0x6d: {  	[sflag:s14] =	ssyncset.done $0x0  }
0x6e: {  	[sflag:s14] =	ssyncadd.s32 $0xFFFFFF80  }
0x6f: {  	[tilespmem:s17], [sflag:$0x1] =	stream.indirect.gather [hbm4b:s3+s16], $0x80, s2, s16, $0xb8;
	[tilespmem:$0x6100] =	vst v63  }
0x70: {  	_ =	swait.ge [sflag:s14], $0x1000  }
.Ltmp1:
0x71: {  	[sflag:s14] =	ssyncset.done $0x0;
	(pc) =	sbr.rel @p2 .LBB2_4-.Ltmp1, $4  }
0x72: {  	[sflag:s14] =	ssyncadd.s32 $0xFFFFF000  }
0x73: {  	[spmem:s1] =	stream.indirect.scatter.add.f32 [tilespmem:s17], [sflag:$0x1], $0x80, s15, s16, $0xb8;
	[tilespmem:$0x6100] =	vst v63  }
0x74: {  	_ =	swait.ge [sflag:s14], $0x1000  }
0x75: {  	s20 =	smov.u32 s23;
	[sflag:s14] =	ssyncset.done $0x0  }
0x76: {  	s20 =	sadd.s32 s19, s11;
	[sflag:s14] =	ssyncadd.s32 $0xFFFFF000  }
0x77: {  	[tilespmem:s2], [sflag:$0x1] =	stream.linear.gather [hbm4b:s20+s2], $0x80, $0x38;
	[tilespmem:$0x6100] =	vst v63  }
0x78: {  	_ =	swait.ge [sflag:s14], $0x80  }
0x79: {  	[sflag:s14] =	ssyncset.done $0x0  }
0x7a: {  	s31 =	sadd.s32 s19, s12;
	[sflag:s14] =	ssyncadd.s32 $0xFFFFFF80  }
0x7b: {  	[tilespmem:s15], [sflag:$0x1] =	stream.linear.gather [hbm4b:s31+s2], $0x80, $0x38;
	[tilespmem:$0x6100] =	vst v63  }
0x7c: {  	_ =	swait.ge [sflag:s14], $0x80  }
0x7d: {  	[sflag:s14] =	ssyncset.done $0x0  }
0x7e: {  	[sflag:s14] =	ssyncadd.s32 $0xFFFFFF80  }
0x7f: {  	[tilespmem:s17], [sflag:$0x1] =	stream.indirect.gather [hbm4b:s3+s16], $0x80, s2, s16, $0xb8;
	[tilespmem:$0x6100] =	vst v63  }
0x80: {  	_ =	swait.ge [sflag:s14], $0x1000  }
0x81: {  	[sflag:s14] =	ssyncset.done $0x0  }
0x82: {  	[sflag:s14] =	ssyncadd.s32 $0xFFFFF000  }
0x83: {  	[spmem:s1] =	stream.indirect.scatter.add.f32 [tilespmem:s17], [sflag:$0x1], $0x80, s15, s16, $0xb8;
	[tilespmem:$0x6100] =	vst v63  }
0x84: {  	_ =	swait.ge [sflag:s14], $0x1000  }
0x85: {  	[sflag:s14] =	ssyncset.done $0x0  }
0x86: {  	[sflag:s14] =	ssyncadd.s32 $0xFFFFF000  }
0x87: {  	s19 =	simm.s32 @!p0 $0x1C01;
	s18 =	sadd.s32 $0x1, s18;
	[bflag:$0x0] =	sbarrier.arrive $0xFFFF  }
0x88: {  	[hbm:s8], [sflag:s19] =	dma.local @!p0 [spmem:s13], $0xA000  }
0x89: {  	p2 =	sne.s32 s18, s7;
	s19 =	simm.s32 @!p0 $0x1  }
.Ltmp2:
0x8a: {  	_ =	swait.ge @!p0 [sflag:s19], $0xA000;
	(pc) =	sbr.rel @p2 .LBB2_1-.Ltmp2, $3  }
0x8b: {  	[sflag:s19] =	ssyncset.done @!p0 $0x0  }
0x8c: {  	[sflag:s19] =	ssyncadd.s32 @!p0 $0xFFFF6000  }
0x8d: {  	[bflag:$0x0] =	sbarrier.arrive $0xFFFF;
	_ =	sdelay $0x1  }
0x8e: {  	_ =	sfence.sel $0x180000  }
0x8f: {  	[bflag:$0x0] =	sbarrier.arrive $0xFFFF  }
0x90: {  	_ =	strace $0x9000004A  }
0x91: {  	s0 =	sadd.s32 @!p0 $0x100000, s0;
	[bflag:$0x2] =	sbarrier.arrive $0xFFFF  }
0x92: {  	[sflag:s0] =	ssyncadd.tile.s32 @!p0 $0x1;
	_ =	shalt  }
.Lfunc_end2:
_tile_overlayer_lowered:
.L_overlay_start_2:
0x93: {  	(tag) =	ssettag $0x2  }
0x94: {  	s0 =	rddreg [dreg:$0x0];
	s2 =	stileid.u32  }
0x95: {  	s1 =	rddreg [dreg:$0x1];
	p0 =	sne.s32 s2, $0x0  }
0x96: {  	s3 =	rddreg [dreg:$0x2];
	[bflag:$0x3] =	sbarrier.arrive $0xFFFF;
	s2 =	simm.s32 @!p0 $0x1C01  }
0x97: {  	[timem:s3], [sflag:s2] =	dma.local @!p0 [hbm:s0], s1  }
0x98: {  	s0 =	simm.s32 @!p0 $0x1  }
0x99: {  	_ =	swait.ge @!p0 [sflag:s0], s1  }
0x9a: {  	s1 =	ssub.s32 @!p0 $0x0, s1;
	[sflag:s0] =	ssyncset.done @!p0 $0x0  }
0x9b: {  	[sflag:s0] =	ssyncadd.s32 @!p0 s1  }
0x9c: {  	[bflag:$0x3] =	sbarrier.arrive $0xFFFF  }
0x9d: {  	_ =	shalt  }

// kernel: kernel.14.cloned.1.call-start
scs
__scs_entry_jumppad:
0x0: {  	(pc) =	sbr.rel $0x88, $3  }
0x1: {  	(tag) =	ssettag $0x0;
	lr =	simm.s32 $0x1  }
0x2: {  	[smem:$0x3F9B] =	sst lr;
	_ =	strace $0xD0000000  }
0x3: {  	_ = 	snop  }
0x4: {  	_ = 	snop  }
0x5: {  	_ = 	snop  }
0x6: {  	_ = 	snop  }
0x7: {  	_ = 	snop  }
__scs_overlays_trampoline_lowered:
0x8: {  	[smem:$0x3FAA] =	sst s0  }
0x9: {  	[smem:$0x3FAB] =	sst s1  }
0xa: {  	[smem:$0x3FAC] =	sst s2  }
0xb: {  	[smem:$0x3FAD] =	sst s3  }
0xc: {  	[smem:$0x3FAE] =	sst s4  }
0xd: {  	[smem:$0x3FAF] =	sst s5  }
0xe: {  	[smem:$0x3FB0] =	sst s6  }
0xf: {  	[smem:$0x3FB1] =	sst s7  }
0x10: {  	[smem:$0x3FB2] =	sst s8  }
0x11: {  	[smem:$0x3FB3] =	sst s9;
	s0 =	simm.s32 @!p0 $0x0  }
0x12: {  	s1 =	sld [smem:$0x3F99];
	s0 =	simm.s32 @p0 $0x1  }
0x13: {  	[smem:$0x3FB4] =	sst s0;
	s0 =	simm.s32 @!p1 $0x0  }
0x14: {  	s2 =	sld [smem:$0x3F98];
	s0 =	simm.s32 @p1 $0x1  }
0x15: {  	[smem:$0x3FB5] =	sst s0;
	s0 =	simm.s32 @!p2 $0x0  }
0x16: {  	s3 =	sld [smem:$0x3FDB];
	s0 =	simm.s32 @p2 $0x1  }
0x17: {  	s4 =	simm.s32 $0x1BF5;
	[smem:$0x3FB7] =	sst s0  }
0x18: {  	s0 =	sld [smem:$0x3F9A];
	_ =	swait.ge [sflag:s4], $0x0  }
0x19: {  	s7 =	sld [smem:$0x3F9B]  }
0x1a: {  	s8 =	sadd.s32 $0xFFFFE003, lr  }
0x1b: {  	s9 =	sadd.s32 $0xFFFFFEF7, lr;
	s5 =	simm.s32 $0xFFFFFFFF;
	p2 =	slt.u32 s8, $0xFFFFF086  }
0x1c: {  	p1 =	slt.u32 s9, $0xF7A;
	s5 =	simm.s32 @!p2 $0x0  }
0x1d: {  	s5 =	simm.s32 @p1 $0x1;
	p0 =	seq.s32 s7, s2  }
0x1e: {  	s7 =	smul.u32 @!p0 $0xF7A, s2;
	p2 =	seq.s32 @!p0 s5, $0x0  }
0x1f: {  	s9 =	smul.u32 $0xF7A, s1;
	s8 =	simm.s32 @!p0 $0x1BF5;
	p2 =	por !p2, p0  }
0x20: {  	[sflag:s8] =	ssyncset.s32 @!p0 $0xFFFFF086;
	s6 =	sadd.s32 @!p0 s3, s7;
	s7 =	simm.s32 @!p0 $0x108  }
0x21: {  	s3 =	sadd.s32 s3, s9;
	s6 =	sadd.s32 @!p0 $0x88, s6;
	s7 =	simm.s32 @p2 $0x1082  }
0x22: {  	[simem:s7], [sflag:s8] =	dma.local @!p0 [hbm:s6], $0xF7A  }
0x23: {  	s9 =	sor.u32 $0xD0000000, s2;
	s6 =	simm.s32 $0x108;
	_ =	swait.ge @!p0 [sflag:s8], $0x0  }
0x24: {  	s3 =	sadd.s32 $0x88, s3;
	s6 =	simm.s32 @!p1 $0x1082;
	[sflag:s4] =	ssyncset.s32 $0xFFFFF086  }
0x25: {  	[simem:s6], [sflag:s4] =	dma.local [hbm:s3], $0xF7A  }
0x26: {  	[smem:$0x3F9B] =	sst s1;
	(tag) =	ssettag s2;
	_ =	strace s9  }
0x27: {  	s1 =	sld [smem:$0x3FAB]  }
0x28: {  	s2 =	sld [smem:$0x3FAC]  }
0x29: {  	s4 =	sld [smem:$0x3FAE]  }
0x2a: {  	p0 =	seq.s32 s5, $0x0;
	s5 =	sld [smem:$0x3FAF]  }
0x2b: {  	s6 =	sld [smem:$0x3FB0]  }
0x2c: {  	s7 =	sld [smem:$0x3FB1]  }
0x2d: {  	s3 =	simm.s32 $0x108;
	s8 =	sld [smem:$0x3FB2]  }
0x2e: {  	s3 =	simm.s32 @!p0 $0x1082;
	s9 =	sld [smem:$0x3FB3]  }
0x2f: {  	lr =	sadd.s32 s0, s3;
	s0 =	sld [smem:$0x3FAA]  }
0x30: {  	s3 =	sld [smem:$0x3FAD]  }
0x31: {  	[smem:$0x3FB6] =	sst s10  }
0x32: {  	s10 =	sld [smem:$0x3FB4];
	_ =	sdelay $0x3  }
0x33: {  	p0 =	seq.s32 s10, $0x1;
	s10 =	sld [smem:$0x3FB6];
	_ =	sdelay $0x3  }
0x34: {  	[smem:$0x3FB6] =	sst s10  }
0x35: {  	s10 =	sld [smem:$0x3FB5];
	_ =	sdelay $0x3  }
0x36: {  	p1 =	seq.s32 s10, $0x1;
	s10 =	sld [smem:$0x3FB6];
	_ =	sdelay $0x3  }
0x37: {  	[smem:$0x3FB6] =	sst s10  }
0x38: {  	s10 =	sld [smem:$0x3FB7]  }
0x39: {  	_ = 	snop;
	(pc) =	sbr.ind lr, $3  }
0x3a: {  	_ = 	snop  }
0x3b: {  	_ = 	snop  }
0x3c: {  	p2 =	seq.s32 s10, $0x1;
	s10 =	sld [smem:$0x3FB6]  }
0x3d: {  	_ =	shalt  }
0x3e: {  	_ =	shalt  }
0x3f: {  	_ =	shalt  }
0x40: {  	_ =	shalt  }
0x41: {  	_ =	shalt  }
0x42: {  	_ =	shalt  }
0x43: {  	_ =	shalt  }
0x44: {  	_ =	shalt  }
0x45: {  	_ =	shalt  }
0x46: {  	_ =	shalt  }
0x47: {  	_ =	shalt  }
0x48: {  	_ =	shalt  }
0x49: {  	_ =	shalt  }
0x4a: {  	_ =	shalt  }
0x4b: {  	_ =	shalt  }
0x4c: {  	_ =	shalt  }
0x4d: {  	_ =	shalt  }
0x4e: {  	_ =	shalt  }
0x4f: {  	_ =	shalt  }
0x50: {  	_ =	shalt  }
0x51: {  	_ =	shalt  }
0x52: {  	_ =	shalt  }
0x53: {  	_ =	shalt  }
0x54: {  	_ =	shalt  }
0x55: {  	_ =	shalt  }
0x56: {  	_ =	shalt  }
0x57: {  	_ =	shalt  }
0x58: {  	_ =	shalt  }
0x59: {  	_ =	shalt  }
0x5a: {  	_ =	shalt  }
0x5b: {  	_ =	shalt  }
0x5c: {  	_ =	shalt  }
0x5d: {  	_ =	shalt  }
0x5e: {  	_ =	shalt  }
0x5f: {  	_ =	shalt  }
0x60: {  	_ =	shalt  }
0x61: {  	_ =	shalt  }
0x62: {  	_ =	shalt  }
0x63: {  	_ =	shalt  }
0x64: {  	_ =	shalt  }
0x65: {  	_ =	shalt  }
0x66: {  	_ =	shalt  }
0x67: {  	_ =	shalt  }
0x68: {  	_ =	shalt  }
0x69: {  	_ =	shalt  }
0x6a: {  	_ =	shalt  }
0x6b: {  	_ =	shalt  }
0x6c: {  	_ =	shalt  }
0x6d: {  	_ =	shalt  }
0x6e: {  	_ =	shalt  }
0x6f: {  	_ =	shalt  }
0x70: {  	_ =	shalt  }
0x71: {  	_ =	shalt  }
0x72: {  	_ =	shalt  }
0x73: {  	_ =	shalt  }
0x74: {  	_ =	shalt  }
0x75: {  	_ =	shalt  }
0x76: {  	_ =	shalt  }
0x77: {  	_ =	shalt  }
0x78: {  	_ =	shalt  }
0x79: {  	_ =	shalt  }
0x7a: {  	_ =	shalt  }
0x7b: {  	_ =	shalt  }
0x7c: {  	_ =	shalt  }
0x7d: {  	_ =	shalt  }
0x7e: {  	_ =	shalt  }
0x7f: {  	_ =	shalt  }
0x80: {  	_ =	shalt  }
0x81: {  	_ =	shalt  }
0x82: {  	_ =	shalt  }
0x83: {  	_ =	shalt  }
0x84: {  	_ =	shalt  }
0x85: {  	_ =	shalt  }
0x86: {  	_ =	shalt  }
0x87: {  	_ =	shalt  }
.Lfunc_end0:
.L_simem_size_0:
called_computation.2_lowered:
.L_overlay_start_0:
0x88: {  	s2 =	sld [smem:$0x3FD9]  }
0x89: {  	s3 =	sld [smem:$0x3FFE];
	_ =	sdelay $0x1  }
0x8a: {  	s1 =	srdreg.scid  }
0x8b: {  	s0 =	sand.u32 $0x1, s1  }
0x8c: {  	s16 =	sshll.u32 s0, $0xA;
	s2 =	sadd.s32 s3, s2  }
0x8d: {  	s2 =	sadd.s32 s2, s16  }
0x8e: {  	[smem:$0x3FC2] =	sst s2  }
0x8f: {  	_ = 	snop  }
0x90: {  	(tm) =	ssettm $0x1  }
0x91: {  	s17 =	sld [smem:$0x3FFB];
	_ =	sdelay $0x3  }
0x92: {  	_ =	strace s17  }
0x93: {  	s2 =	sld [smem:$0x3FFC];
	_ =	sdelay $0x3  }
0x94: {  	_ =	strace s2  }
0x95: {  	s2 =	sld [smem:$0x3FFD];
	_ =	sdelay $0x3  }
0x96: {  	_ =	strace s2  }
0x97: {  	_ =	strace $0x8FFFFFFF  }
0x98: {  	s18 =	sld [smem:$0x3FDB];
	_ =	sdelay $0x1  }
0x99: {  	s19 =	simm.s32 $_scs_section_size  }
0x9a: {  	s4 =	simm.s32 $_size__tile_overlayer_lowered;
	s5 =	simm.s32 $_tile_overlayer_lowered  }
0x9b: {  	s22 =	simm.s32 $0x1BFF;
	s21 =	sshll.u32 s5, $0x1;
	s2 =	sadd.s32 s19, s18  }
0x9c: {  	s6 =	simm.s32 $0x0;
	s20 =	sshll.u32 s4, $0x1;
	s4 =	sadd.s32 s21, s2  }
0x9d: {  	[timem:s6], [sflag:s22] =	dma.local [hbm:s4], s20  }
0x9e: {  	_ =	swait.ge [sflag:s22], s20  }
0x9f: {  	s3 =	ssub.s32 $0x0, s20;
	[sflag:s22] =	ssyncset.done $0x0  }
0xa0: {  	[sflag:s22] =	ssyncadd.s32 s3;
	_ =	sdelay $0x1  }
0xa1: {  	s23 =	simm.s32 $0x1B8B  }
0xa2: {  	_ =	swait.ge [sflag:s23], $0x1  }
0xa3: {  	[sflag:s23] =	ssyncset.done $0x0  }
0xa4: {  	s25 =	simm.s32 $0x1B8E;
	s24 =	sld [smem:$0x3FFE];
	[sflag:s23] =	ssyncadd.s32 $0xFFFFFFFF  }
0xa5: {  	s26 =	simm.s32 $execute0_lowered;
	[smem:$0x3FD2] =	sst s25  }
0xa6: {  	s4 =	sshll.u32 s26, $0x1;
	_ =	strace $0x8000004C;
	[dreg:$0x1] =	wrdreg $0xFFFFFFFF  }
0xa7: {  	s28 =	simm.s32 $_size_execute0_lowered;
	s2 =	sadd.s32 s2, s4;
	[dreg:$0x0] =	wrdreg $0x0  }
0xa8: {  	s4 =	sshll.u32 s28, $0x1;
	[dreg:$0x2] =	wrdreg s2  }
0xa9: {  	[dreg:$0x3] =	wrdreg s4  }
0xaa: {  	[dreg:$0x4] =	wrdreg $0xC0  }
0xab: {  	_ =	task [dreg:s6], $0x5FFFF  }
0xac: {  	[dreg:$0x1] =	wrdreg $0xFFFFFFFF  }
0xad: {  	[dreg:$0x0] =	wrdreg $0x60  }
0xae: {  	[dreg:$0x2] =	wrdreg s24  }
0xaf: {  	[dreg:$0x3] =	wrdreg $0x11000  }
0xb0: {  	[dreg:$0x4] =	wrdreg $0x9  }
0xb1: {  	_ =	task.clear_ibuf [dreg:s6], $0x5FFFF;
	_ =	strace $0x9000004C  }
0xb2: {  	s29 =	simm.s32 $0x9;
	_ =	strace $0x8000004E  }
0xb3: {  	_ =	swait.ge [sflag:s29], $0x1  }
0xb4: {  	[sflag:s29] =	ssyncadd.s32 $0xFFFFFFFF  }
0xb5: {  	_ =	strace $0x9000004E  }
0xb6: {  	_ =	sfence  }
0xb7: {  	s30 =	sld [smem:$0x0];
	_ =	sdelay $0x2  }
0xb8: {  	s31 =	sshll.u32 s1, $0xD;
	s1 =	sshrl.u32 s1, $0x2  }
0xb9: {  	s3 =	sand.u32 $0x4000, s31;
	s1 =	sadd.s32 s1, s30  }
0xba: {  	s0 =	sor.u32 s3, s0;
	s1 =	sshll.u32 s1, $0x11  }
0xbb: {  	s0 =	sor.u32 s1, s0  }
0xbc: {  	s0 =	sadd.s32 $0x8F2B, s0  }
0xbd: {  	[sflag:s0] =	ssyncadd.remote.s32 $0x1  }
0xbe: {  	_ =	sfence.sel $0xFFFF  }
0xbf: {  	[dreg:$0x0] =	wrdreg $0xFFFFFFFF;
	(pc) =	sbr.abs _section_cstart, $3  }
0xc0: {  	[dreg:$0x1] =	wrdreg $0xFFFFFFFF  }
0xc1: {  	_ =	task.clear_ibuf [dreg:s6], $0x2FFFF;
	_ =	strace $0x9FFFFFFF  }
0xc2: {  	(tm) =	ssettm $0x7FFFFFFF  }
0xc3: {  	_ =	shalt  }
tec
execute0_lowered:
.L_overlay_start_1:
0x0: {  	(tag) =	ssettag $0x1  }
0x1: {  	s4 =	rddreg [dreg:$0x0]  }
0x2: {  	s1 =	rddreg [dreg:$0x1]  }
0x3: {  	s0 =	rddreg [dreg:$0x2]  }
0x4: {  	s2 =	simm.s32 $0x0;
	s5 =	srdreg.scid;
	s18 =	stileid.u32  }
0x5: {  	s17 =	simm.s32 $0x100;
	[smem:$0x7FF] =	sst s2;
	s3 =	sadd.s32 $0x2600, s4  }
0x6: {  	s5 =	sand.u32 $0x1, s5;
	s11 =	sadd.s32 $0xA1800, s4;
	s15 =	smul.u32 $0x271, s18  }
0x7: {  	s12 =	sadd.s32 $0x13DC00, s4;
	s10 =	sadd.s32 $0x2A600, s4;
	s16 =	smul.u32 $0x2710, s18  }
0x8: {  	p0 =	sne.s32 s18, $0x0;
	p1 =	seq.s32 s18, $0x0;
	s6 =	smul.u32 $0x14000, s5  }
0x9: {  	s18 =	simm.s32 $0x0;
	s8 =	ssub.s32 $0x2, s5;
	s13 =	smul.u32 $0x4E200, s5  }
0xa: {  	s7 =	sshllo.u32 s5, $0x1;
	s14 =	smul.u32 $0x4E20, s5;
	s26 =	sshrl.u32 s8, $0x1  }
0xb: {  	_ =	strace $0x8000004D;
	s9 =	smul.u32 $0xA000, s7;
	s28 =	ssub.s32 s8, s26  }
0xc: {  	s4 =	sadd.s32 s3, s6;
	s5 =	sadd.s32 s10, s6;
	s29 =	sadd.s32 s13, s11  }
0xd: {  	s30 =	sadd.s32 s15, s14;
	s13 =	sadd.s32 s13, s12;
	s15 =	simm.s32 $0x80  }
0xe: {  	s6 =	sadd.s32 s3, s9;
	s7 =	smax.u32 s28, $0x1;
	s8 =	sadd.s32 s10, s9  }
0xf: {  	s9 =	sadd.s32 s16, s29;
	s14 =	sshll.u32 s30, $0x4;
	s10 =	sadd.s32 s16, s13  }
0x10: {  	s13 =	sshrl.u32 @!p0 s1, $0x3;
	s16 =	simm.s32 $0x20;
	s31 =	sadd.s32 $0x27100, s14  }
0x11: {  	s14 =	simm.s32 $0x1;
	s11 =	sadd.s32 s31, s11;
	s12 =	sadd.s32 s31, s12  }
.LBB2_1:
0x12: {  	s19 =	simm.s32 @!p0 $0x1C01  }
0x13: {  	[spmem:s13], [sflag:s19] =	dma.local @!p0 [hbm:s4], $0xA000  }
0x14: {  	s19 =	simm.s32 @!p0 $0x1  }
0x15: {  	_ =	swait.ge @!p0 [sflag:s19], $0xA000  }
0x16: {  	[sflag:s19] =	ssyncset.done @!p0 $0x0  }
0x17: {  	[sflag:s19] =	ssyncadd.s32 @!p0 $0xFFFF6000  }
0x18: {  	s30 =	sadd.s32 $0x0, s9;
	[bflag:$0x0] =	sbarrier.arrive $0xFFFF  }
0x19: {  	[tilespmem:s2], [sflag:$0x1] =	stream.linear.gather [hbm4b:s30+s2], $0x80, $0x38;
	[tilespmem:$0x6100] =	vst v63  }
0x1a: {  	_ =	swait.ge [sflag:s14], $0x80  }
0x1b: {  	[sflag:s14] =	ssyncset.done $0x0  }
0x1c: {  	s31 =	sadd.s32 $0x0, s10;
	[sflag:s14] =	ssyncadd.s32 $0xFFFFFF80  }
0x1d: {  	[tilespmem:s15], [sflag:$0x1] =	stream.linear.gather [hbm4b:s31+s2], $0x80, $0x38;
	[tilespmem:$0x6100] =	vst v63  }
0x1e: {  	_ =	swait.ge [sflag:s14], $0x80  }
0x1f: {  	[sflag:s14] =	ssyncset.done $0x0  }
0x20: {  	[sflag:s14] =	ssyncadd.s32 $0xFFFFFF80  }
0x21: {  	[tilespmem:s17], [sflag:$0x1] =	stream.indirect.gather [hbm4b:s3+s16], $0x80, s2, s16, $0xb8;
	[tilespmem:$0x6100] =	vst v63  }
0x22: {  	_ =	swait.ge [sflag:s14], $0x1000  }
0x23: {  	[sflag:s14] =	ssyncset.done $0x0  }
0x24: {  	[sflag:s14] =	ssyncadd.s32 $0xFFFFF000  }
0x25: {  	[spmem:s1] =	stream.indirect.scatter.add.f32 [tilespmem:s17], [sflag:$0x1], $0x80, s15, s16, $0xb8;
	[tilespmem:$0x6100] =	vst v63  }
0x26: {  	_ =	swait.ge [sflag:s14], $0x1000  }
0x27: {  	s20 =	simm.s32 $0x20;
	s19 =	simm.s32 $0x10;
	[sflag:s14] =	ssyncset.done $0x0  }
.LBB2_2:
0x28: {  	s21 =	sadd.s32 s19, s9  }
0x29: {  	[sflag:s14] =	ssyncadd.s32 $0xFFFFF000;
	s22 =	smov.u32 s20;
	s23 =	sadd.s32 $0x10, s20  }
0x2a: {  	[tilespmem:s2], [sflag:$0x1] =	stream.linear.gather [hbm4b:s21+s2], $0x80, $0x38;
	[tilespmem:$0x6100] =	vst v63  }
0x2b: {  	p2 =	sne.s32 s20, $0x2700;
	_ =	swait.ge [sflag:s14], $0x80  }
0x2c: {  	[sflag:s14] =	ssyncset.done $0x0  }
0x2d: {  	s20 =	sadd.s32 s19, s10;
	s19 =	smov.u32 s22;
	[sflag:s14] =	ssyncadd.s32 $0xFFFFFF80  }
0x2e: {  	[tilespmem:s15], [sflag:$0x1] =	stream.linear.gather [hbm4b:s20+s2], $0x80, $0x38;
	[tilespmem:$0x6100] =	vst v63  }
0x2f: {  	_ =	swait.ge [sflag:s14], $0x80  }
0x30: {  	[sflag:s14] =	ssyncset.done $0x0  }
0x31: {  	[sflag:s14] =	ssyncadd.s32 $0xFFFFFF80  }
0x32: {  	[tilespmem:s17], [sflag:$0x1] =	stream.indirect.gather [hbm4b:s3+s16], $0x80, s2, s16, $0xb8;
	[tilespmem:$0x6100] =	vst v63  }
0x33: {  	_ =	swait.ge [sflag:s14], $0x1000  }
.Ltmp0:
0x34: {  	[sflag:s14] =	ssyncset.done $0x0;
	(pc) =	sbr.rel @p2 .LBB2_2-.Ltmp0, $4  }
0x35: {  	[sflag:s14] =	ssyncadd.s32 $0xFFFFF000  }
0x36: {  	[spmem:s1] =	stream.indirect.scatter.add.f32 [tilespmem:s17], [sflag:$0x1], $0x80, s15, s16, $0xb8;
	[tilespmem:$0x6100] =	vst v63  }
0x37: {  	_ =	swait.ge [sflag:s14], $0x1000  }
0x38: {  	s20 =	smov.u32 s23;
	[sflag:s14] =	ssyncset.done $0x0  }
0x39: {  	s20 =	sadd.s32 s19, s9;
	[sflag:s14] =	ssyncadd.s32 $0xFFFFF000  }
0x3a: {  	[tilespmem:s2], [sflag:$0x1] =	stream.linear.gather [hbm4b:s20+s2], $0x80, $0x38;
	[tilespmem:$0x6100] =	vst v63  }
0x3b: {  	_ =	swait.ge [sflag:s14], $0x80  }
0x3c: {  	[sflag:s14] =	ssyncset.done $0x0  }
0x3d: {  	s29 =	sadd.s32 s19, s10;
	[sflag:s14] =	ssyncadd.s32 $0xFFFFFF80  }
0x3e: {  	[tilespmem:s15], [sflag:$0x1] =	stream.linear.gather [hbm4b:s29+s2], $0x80, $0x38;
	[tilespmem:$0x6100] =	vst v63  }
0x3f: {  	_ =	swait.ge [sflag:s14], $0x80  }
0x40: {  	[sflag:s14] =	ssyncset.done $0x0  }
0x41: {  	[sflag:s14] =	ssyncadd.s32 $0xFFFFFF80  }
0x42: {  	[tilespmem:s17], [sflag:$0x1] =	stream.indirect.gather [hbm4b:s3+s16], $0x80, s2, s16, $0xb8;
	[tilespmem:$0x6100] =	vst v63  }
0x43: {  	_ =	swait.ge [sflag:s14], $0x1000  }
0x44: {  	[sflag:s14] =	ssyncset.done $0x0  }
0x45: {  	[sflag:s14] =	ssyncadd.s32 $0xFFFFF000  }
0x46: {  	[spmem:s1] =	stream.indirect.scatter.add.f32 [tilespmem:s17], [sflag:$0x1], $0x80, s15, s16, $0xb8;
	[tilespmem:$0x6100] =	vst v63  }
0x47: {  	_ =	swait.ge [sflag:s14], $0x1000  }
0x48: {  	[sflag:s14] =	ssyncset.done $0x0  }
0x49: {  	s19 =	sshrl.u32 @p1 s1, $0x3;
	[sflag:s14] =	ssyncadd.s32 $0xFFFFF000  }
0x4a: {  	s21 =	simm.s32 @p1 $0x1;
	s20 =	simm.s32 @p1 $0x1C01;
	[bflag:$0x0] =	sbarrier.arrive $0xFFFF  }
0x4b: {  	[hbm:s5], [sflag:s20] =	dma.local @p1 [spmem:s19], $0xA000  }
0x4c: {  	_ =	swait.ge @p1 [sflag:s21], $0xA000  }
0x4d: {  	[sflag:s21] =	ssyncset.done @p1 $0x0  }
0x4e: {  	[sflag:s21] =	ssyncadd.s32 @p1 $0xFFFF6000  }
0x4f: {  	[bflag:$0x0] =	sbarrier.arrive @p1 $0xFFFF  }
0x50: {  	[spmem:s19], [sflag:s20] =	dma.local @p1 [hbm:s6], $0xA000  }
0x51: {  	_ =	swait.ge @p1 [sflag:s21], $0xA000  }
0x52: {  	[sflag:s21] =	ssyncset.done @p1 $0x0  }
0x53: {  	[sflag:s21] =	ssyncadd.s32 @p1 $0xFFFF6000  }
0x54: {  	[bflag:$0x0] =	sbarrier.arrive @!p1 $0xFFFF  }
0x55: {  	s30 =	sadd.s32 $0x0, s11;
	[bflag:$0x0] =	sbarrier.arrive $0xFFFF  }
0x56: {  	[tilespmem:s2], [sflag:$0x1] =	stream.linear.gather [hbm4b:s30+s2], $0x80, $0x38;
	[tilespmem:$0x6100] =	vst v63  }
0x57: {  	_ =	swait.ge [sflag:s14], $0x80  }
0x58: {  	[sflag:s14] =	ssyncset.done $0x0  }
0x59: {  	s31 =	sadd.s32 $0x0, s12;
	[sflag:s14] =	ssyncadd.s32 $0xFFFFFF80  }
0x5a: {  	[tilespmem:s15], [sflag:$0x1] =	stream.linear.gather [hbm4b:s31+s2], $0x80, $0x38;
	[tilespmem:$0x6100] =	vst v63  }
0x5b: {  	_ =	swait.ge [sflag:s14], $0x80  }
0x5c: {  	[sflag:s14] =	ssyncset.done $0x0  }
0x5d: {  	[sflag:s14] =	ssyncadd.s32 $0xFFFFFF80  }
0x5e: {  	[tilespmem:s17], [sflag:$0x1] =	stream.indirect.gather [hbm4b:s3+s16], $0x80, s2, s16, $0xb8;
	[tilespmem:$0x6100] =	vst v63  }
0x5f: {  	_ =	swait.ge [sflag:s14], $0x1000  }
0x60: {  	[sflag:s14] =	ssyncset.done $0x0  }
0x61: {  	[sflag:s14] =	ssyncadd.s32 $0xFFFFF000  }
0x62: {  	[spmem:s1] =	stream.indirect.scatter.add.f32 [tilespmem:s17], [sflag:$0x1], $0x80, s15, s16, $0xb8;
	[tilespmem:$0x6100] =	vst v63  }
0x63: {  	_ =	swait.ge [sflag:s14], $0x1000  }
0x64: {  	s19 =	simm.s32 $0x10;
	s20 =	simm.s32 $0x20;
	[sflag:s14] =	ssyncset.done $0x0  }
.LBB2_4:
0x65: {  	s21 =	sadd.s32 s19, s11  }
0x66: {  	[sflag:s14] =	ssyncadd.s32 $0xFFFFF000;
	s22 =	smov.u32 s20;
	s23 =	sadd.s32 $0x10, s20  }
0x67: {  	[tilespmem:s2], [sflag:$0x1] =	stream.linear.gather [hbm4b:s21+s2], $0x80, $0x38;
	[tilespmem:$0x6100] =	vst v63  }
0x68: {  	p2 =	sne.s32 s20, $0x2700;
	_ =	swait.ge [sflag:s14], $0x80  }
0x69: {  	[sflag:s14] =	ssyncset.done $0x0  }
0x6a: {  	s20 =	sadd.s32 s19, s12;
	s19 =	smov.u32 s22;
	[sflag:s14] =	ssyncadd.s32 $0xFFFFFF80  }
0x6b: {  	[tilespmem:s15], [sflag:$0x1] =	stream.linear.gather [hbm4b:s20+s2], $0x80, $0x38;
	[tilespmem:$0x6100] =	vst v63  }
0x6c: {  	_ =	swait.ge [sflag:s14], $0x80  }
0x6d: {  	[sflag:s14] =	ssyncset.done $0x0  }
0x6e: {  	[sflag:s14] =	ssyncadd.s32 $0xFFFFFF80  }
0x6f: {  	[tilespmem:s17], [sflag:$0x1] =	stream.indirect.gather [hbm4b:s3+s16], $0x80, s2, s16, $0xb8;
	[tilespmem:$0x6100] =	vst v63  }
0x70: {  	_ =	swait.ge [sflag:s14], $0x1000  }
.Ltmp1:
0x71: {  	[sflag:s14] =	ssyncset.done $0x0;
	(pc) =	sbr.rel @p2 .LBB2_4-.Ltmp1, $4  }
0x72: {  	[sflag:s14] =	ssyncadd.s32 $0xFFFFF000  }
0x73: {  	[spmem:s1] =	stream.indirect.scatter.add.f32 [tilespmem:s17], [sflag:$0x1], $0x80, s15, s16, $0xb8;
	[tilespmem:$0x6100] =	vst v63  }
0x74: {  	_ =	swait.ge [sflag:s14], $0x1000  }
0x75: {  	s20 =	smov.u32 s23;
	[sflag:s14] =	ssyncset.done $0x0  }
0x76: {  	s20 =	sadd.s32 s19, s11;
	[sflag:s14] =	ssyncadd.s32 $0xFFFFF000  }
0x77: {  	[tilespmem:s2], [sflag:$0x1] =	stream.linear.gather [hbm4b:s20+s2], $0x80, $0x38;
	[tilespmem:$0x6100] =	vst v63  }
0x78: {  	_ =	swait.ge [sflag:s14], $0x80  }
0x79: {  	[sflag:s14] =	ssyncset.done $0x0  }
0x7a: {  	s31 =	sadd.s32 s19, s12;
	[sflag:s14] =	ssyncadd.s32 $0xFFFFFF80  }
0x7b: {  	[tilespmem:s15], [sflag:$0x1] =	stream.linear.gather [hbm4b:s31+s2], $0x80, $0x38;
	[tilespmem:$0x6100] =	vst v63  }
0x7c: {  	_ =	swait.ge [sflag:s14], $0x80  }
0x7d: {  	[sflag:s14] =	ssyncset.done $0x0  }
0x7e: {  	[sflag:s14] =	ssyncadd.s32 $0xFFFFFF80  }
0x7f: {  	[tilespmem:s17], [sflag:$0x1] =	stream.indirect.gather [hbm4b:s3+s16], $0x80, s2, s16, $0xb8;
	[tilespmem:$0x6100] =	vst v63  }
0x80: {  	_ =	swait.ge [sflag:s14], $0x1000  }
0x81: {  	[sflag:s14] =	ssyncset.done $0x0  }
0x82: {  	[sflag:s14] =	ssyncadd.s32 $0xFFFFF000  }
0x83: {  	[spmem:s1] =	stream.indirect.scatter.add.f32 [tilespmem:s17], [sflag:$0x1], $0x80, s15, s16, $0xb8;
	[tilespmem:$0x6100] =	vst v63  }
0x84: {  	_ =	swait.ge [sflag:s14], $0x1000  }
0x85: {  	[sflag:s14] =	ssyncset.done $0x0  }
0x86: {  	[sflag:s14] =	ssyncadd.s32 $0xFFFFF000  }
0x87: {  	s19 =	simm.s32 @!p0 $0x1C01;
	s18 =	sadd.s32 $0x1, s18;
	[bflag:$0x0] =	sbarrier.arrive $0xFFFF  }
0x88: {  	[hbm:s8], [sflag:s19] =	dma.local @!p0 [spmem:s13], $0xA000  }
0x89: {  	p2 =	sne.s32 s18, s7;
	s19 =	simm.s32 @!p0 $0x1  }
.Ltmp2:
0x8a: {  	_ =	swait.ge @!p0 [sflag:s19], $0xA000;
	(pc) =	sbr.rel @p2 .LBB2_1-.Ltmp2, $3  }
0x8b: {  	[sflag:s19] =	ssyncset.done @!p0 $0x0  }
0x8c: {  	[sflag:s19] =	ssyncadd.s32 @!p0 $0xFFFF6000  }
0x8d: {  	[bflag:$0x0] =	sbarrier.arrive $0xFFFF;
	_ =	sdelay $0x1  }
0x8e: {  	_ =	sfence.sel $0x180000  }
0x8f: {  	[bflag:$0x0] =	sbarrier.arrive $0xFFFF  }
0x90: {  	_ =	strace $0x9000004D  }
0x91: {  	s0 =	sadd.s32 @!p0 $0x100000, s0;
	[bflag:$0x2] =	sbarrier.arrive $0xFFFF  }
0x92: {  	[sflag:s0] =	ssyncadd.tile.s32 @!p0 $0x1;
	_ =	shalt  }
.Lfunc_end2:
_tile_overlayer_lowered:
.L_overlay_start_2:
0x93: {  	(tag) =	ssettag $0x2  }
0x94: {  	s0 =	rddreg [dreg:$0x0];
	s2 =	stileid.u32  }
0x95: {  	s1 =	rddreg [dreg:$0x1];
	p0 =	sne.s32 s2, $0x0  }
0x96: {  	s3 =	rddreg [dreg:$0x2];
	[bflag:$0x3] =	sbarrier.arrive $0xFFFF;
	s2 =	simm.s32 @!p0 $0x1C01  }
0x97: {  	[timem:s3], [sflag:s2] =	dma.local @!p0 [hbm:s0], s1  }
0x98: {  	s0 =	simm.s32 @!p0 $0x1  }
0x99: {  	_ =	swait.ge @!p0 [sflag:s0], s1  }
0x9a: {  	s1 =	ssub.s32 @!p0 $0x0, s1;
	[sflag:s0] =	ssyncset.done @!p0 $0x0  }
0x9b: {  	[sflag:s0] =	ssyncadd.s32 @!p0 s1  }
0x9c: {  	[bflag:$0x3] =	sbarrier.arrive $0xFFFF  }
0x9d: {  	_ =	shalt  }

// kernel: kernel.8.cloned.1.call-start
scs
__scs_entry_jumppad:
0x0: {  	(pc) =	sbr.rel $0x88, $3  }
0x1: {  	(tag) =	ssettag $0x0;
	lr =	simm.s32 $0x1  }
0x2: {  	[smem:$0x3F9B] =	sst lr;
	_ =	strace $0xD0000000  }
0x3: {  	_ = 	snop  }
0x4: {  	_ = 	snop  }
0x5: {  	_ = 	snop  }
0x6: {  	_ = 	snop  }
0x7: {  	_ = 	snop  }
__scs_overlays_trampoline_lowered:
0x8: {  	[smem:$0x3FAA] =	sst s0  }
0x9: {  	[smem:$0x3FAB] =	sst s1  }
0xa: {  	[smem:$0x3FAC] =	sst s2  }
0xb: {  	[smem:$0x3FAD] =	sst s3  }
0xc: {  	[smem:$0x3FAE] =	sst s4  }
0xd: {  	[smem:$0x3FAF] =	sst s5  }
0xe: {  	[smem:$0x3FB0] =	sst s6  }
0xf: {  	[smem:$0x3FB1] =	sst s7  }
0x10: {  	[smem:$0x3FB2] =	sst s8  }
0x11: {  	[smem:$0x3FB3] =	sst s9;
	s0 =	simm.s32 @!p0 $0x0  }
0x12: {  	s1 =	sld [smem:$0x3F99];
	s0 =	simm.s32 @p0 $0x1  }
0x13: {  	[smem:$0x3FB4] =	sst s0;
	s0 =	simm.s32 @!p1 $0x0  }
0x14: {  	s2 =	sld [smem:$0x3F98];
	s0 =	simm.s32 @p1 $0x1  }
0x15: {  	[smem:$0x3FB5] =	sst s0;
	s0 =	simm.s32 @!p2 $0x0  }
0x16: {  	s3 =	sld [smem:$0x3FDB];
	s0 =	simm.s32 @p2 $0x1  }
0x17: {  	s4 =	simm.s32 $0x1BF5;
	[smem:$0x3FB7] =	sst s0  }
0x18: {  	s0 =	sld [smem:$0x3F9A];
	_ =	swait.ge [sflag:s4], $0x0  }
0x19: {  	s7 =	sld [smem:$0x3F9B]  }
0x1a: {  	s8 =	sadd.s32 $0xFFFFE003, lr  }
0x1b: {  	s9 =	sadd.s32 $0xFFFFFEF7, lr;
	s5 =	simm.s32 $0xFFFFFFFF;
	p2 =	slt.u32 s8, $0xFFFFF086  }
0x1c: {  	p1 =	slt.u32 s9, $0xF7A;
	s5 =	simm.s32 @!p2 $0x0  }
0x1d: {  	s5 =	simm.s32 @p1 $0x1;
	p0 =	seq.s32 s7, s2  }
0x1e: {  	s7 =	smul.u32 @!p0 $0xF7A, s2;
	p2 =	seq.s32 @!p0 s5, $0x0  }
0x1f: {  	s9 =	smul.u32 $0xF7A, s1;
	s8 =	simm.s32 @!p0 $0x1BF5;
	p2 =	por !p2, p0  }
0x20: {  	[sflag:s8] =	ssyncset.s32 @!p0 $0xFFFFF086;
	s6 =	sadd.s32 @!p0 s3, s7;
	s7 =	simm.s32 @!p0 $0x108  }
0x21: {  	s3 =	sadd.s32 s3, s9;
	s6 =	sadd.s32 @!p0 $0x88, s6;
	s7 =	simm.s32 @p2 $0x1082  }
0x22: {  	[simem:s7], [sflag:s8] =	dma.local @!p0 [hbm:s6], $0xF7A  }
0x23: {  	s9 =	sor.u32 $0xD0000000, s2;
	s6 =	simm.s32 $0x108;
	_ =	swait.ge @!p0 [sflag:s8], $0x0  }
0x24: {  	s3 =	sadd.s32 $0x88, s3;
	s6 =	simm.s32 @!p1 $0x1082;
	[sflag:s4] =	ssyncset.s32 $0xFFFFF086  }
0x25: {  	[simem:s6], [sflag:s4] =	dma.local [hbm:s3], $0xF7A  }
0x26: {  	[smem:$0x3F9B] =	sst s1;
	(tag) =	ssettag s2;
	_ =	strace s9  }
0x27: {  	s1 =	sld [smem:$0x3FAB]  }
0x28: {  	s2 =	sld [smem:$0x3FAC]  }
0x29: {  	s4 =	sld [smem:$0x3FAE]  }
0x2a: {  	p0 =	seq.s32 s5, $0x0;
	s5 =	sld [smem:$0x3FAF]  }
0x2b: {  	s6 =	sld [smem:$0x3FB0]  }
0x2c: {  	s7 =	sld [smem:$0x3FB1]  }
0x2d: {  	s3 =	simm.s32 $0x108;
	s8 =	sld [smem:$0x3FB2]  }
0x2e: {  	s3 =	simm.s32 @!p0 $0x1082;
	s9 =	sld [smem:$0x3FB3]  }
0x2f: {  	lr =	sadd.s32 s0, s3;
	s0 =	sld [smem:$0x3FAA]  }
0x30: {  	s3 =	sld [smem:$0x3FAD]  }
0x31: {  	[smem:$0x3FB6] =	sst s10  }
0x32: {  	s10 =	sld [smem:$0x3FB4];
	_ =	sdelay $0x3  }
0x33: {  	p0 =	seq.s32 s10, $0x1;
	s10 =	sld [smem:$0x3FB6];
	_ =	sdelay $0x3  }
0x34: {  	[smem:$0x3FB6] =	sst s10  }
0x35: {  	s10 =	sld [smem:$0x3FB5];
	_ =	sdelay $0x3  }
0x36: {  	p1 =	seq.s32 s10, $0x1;
	s10 =	sld [smem:$0x3FB6];
	_ =	sdelay $0x3  }
0x37: {  	[smem:$0x3FB6] =	sst s10  }
0x38: {  	s10 =	sld [smem:$0x3FB7]  }
0x39: {  	_ = 	snop;
	(pc) =	sbr.ind lr, $3  }
0x3a: {  	_ = 	snop  }
0x3b: {  	_ = 	snop  }
0x3c: {  	p2 =	seq.s32 s10, $0x1;
	s10 =	sld [smem:$0x3FB6]  }
0x3d: {  	_ =	shalt  }
0x3e: {  	_ =	shalt  }
0x3f: {  	_ =	shalt  }
0x40: {  	_ =	shalt  }
0x41: {  	_ =	shalt  }
0x42: {  	_ =	shalt  }
0x43: {  	_ =	shalt  }
0x44: {  	_ =	shalt  }
0x45: {  	_ =	shalt  }
0x46: {  	_ =	shalt  }
0x47: {  	_ =	shalt  }
0x48: {  	_ =	shalt  }
0x49: {  	_ =	shalt  }
0x4a: {  	_ =	shalt  }
0x4b: {  	_ =	shalt  }
0x4c: {  	_ =	shalt  }
0x4d: {  	_ =	shalt  }
0x4e: {  	_ =	shalt  }
0x4f: {  	_ =	shalt  }
0x50: {  	_ =	shalt  }
0x51: {  	_ =	shalt  }
0x52: {  	_ =	shalt  }
0x53: {  	_ =	shalt  }
0x54: {  	_ =	shalt  }
0x55: {  	_ =	shalt  }
0x56: {  	_ =	shalt  }
0x57: {  	_ =	shalt  }
0x58: {  	_ =	shalt  }
0x59: {  	_ =	shalt  }
0x5a: {  	_ =	shalt  }
0x5b: {  	_ =	shalt  }
0x5c: {  	_ =	shalt  }
0x5d: {  	_ =	shalt  }
0x5e: {  	_ =	shalt  }
0x5f: {  	_ =	shalt  }
0x60: {  	_ =	shalt  }
0x61: {  	_ =	shalt  }
0x62: {  	_ =	shalt  }
0x63: {  	_ =	shalt  }
0x64: {  	_ =	shalt  }
0x65: {  	_ =	shalt  }
0x66: {  	_ =	shalt  }
0x67: {  	_ =	shalt  }
0x68: {  	_ =	shalt  }
0x69: {  	_ =	shalt  }
0x6a: {  	_ =	shalt  }
0x6b: {  	_ =	shalt  }
0x6c: {  	_ =	shalt  }
0x6d: {  	_ =	shalt  }
0x6e: {  	_ =	shalt  }
0x6f: {  	_ =	shalt  }
0x70: {  	_ =	shalt  }
0x71: {  	_ =	shalt  }
0x72: {  	_ =	shalt  }
0x73: {  	_ =	shalt  }
0x74: {  	_ =	shalt  }
0x75: {  	_ =	shalt  }
0x76: {  	_ =	shalt  }
0x77: {  	_ =	shalt  }
0x78: {  	_ =	shalt  }
0x79: {  	_ =	shalt  }
0x7a: {  	_ =	shalt  }
0x7b: {  	_ =	shalt  }
0x7c: {  	_ =	shalt  }
0x7d: {  	_ =	shalt  }
0x7e: {  	_ =	shalt  }
0x7f: {  	_ =	shalt  }
0x80: {  	_ =	shalt  }
0x81: {  	_ =	shalt  }
0x82: {  	_ =	shalt  }
0x83: {  	_ =	shalt  }
0x84: {  	_ =	shalt  }
0x85: {  	_ =	shalt  }
0x86: {  	_ =	shalt  }
0x87: {  	_ =	shalt  }
.Lfunc_end0:
.L_simem_size_0:
called_computation_lowered:
.L_overlay_start_0:
0x88: {  	s2 =	sld [smem:$0x3FD9]  }
0x89: {  	s3 =	sld [smem:$0x3FFE];
	_ =	sdelay $0x1  }
0x8a: {  	s1 =	srdreg.scid  }
0x8b: {  	s0 =	sand.u32 $0x1, s1  }
0x8c: {  	s17 =	sshll.u32 s0, $0xA;
	s2 =	sadd.s32 s3, s2  }
0x8d: {  	s2 =	sadd.s32 s2, s17  }
0x8e: {  	[smem:$0x3FC2] =	sst s2  }
0x8f: {  	_ = 	snop  }
0x90: {  	s2 =	sld [smem:$0x3FD0];
	(tm) =	ssettm $0x1  }
0x91: {  	s18 =	sld [smem:$0x3FFB];
	_ =	sdelay $0x3  }
0x92: {  	_ =	strace s18  }
0x93: {  	s3 =	sld [smem:$0x3FFC];
	_ =	sdelay $0x3  }
0x94: {  	_ =	strace s3  }
0x95: {  	s3 =	sld [smem:$0x3FFD];
	_ =	sdelay $0x3  }
0x96: {  	_ =	strace s3  }
0x97: {  	_ =	strace $0x8FFFFFFF  }
0x98: {  	s19 =	sld [smem:$0x3FDB];
	_ =	sdelay $0x1  }
0x99: {  	s4 =	simm.s32 $_scs_section_size  }
0x9a: {  	s5 =	simm.s32 $_size__tile_overlayer_lowered;
	s6 =	simm.s32 $_tile_overlayer_lowered  }
0x9b: {  	s22 =	simm.s32 $0x1BFF;
	s21 =	sshll.u32 s6, $0x1;
	s3 =	sadd.s32 s4, s19  }
0x9c: {  	s7 =	simm.s32 $0x0;
	s20 =	sshll.u32 s5, $0x1;
	s5 =	sadd.s32 s21, s3  }
0x9d: {  	[timem:s7], [sflag:s22] =	dma.local [hbm:s5], s20  }
0x9e: {  	_ =	swait.ge [sflag:s22], s20  }
0x9f: {  	s4 =	ssub.s32 $0x0, s20;
	[sflag:s22] =	ssyncset.done $0x0  }
0xa0: {  	[sflag:s22] =	ssyncadd.s32 s4;
	_ =	sdelay $0x1  }
0xa1: {  	s23 =	simm.s32 $0x1B8B  }
0xa2: {  	_ =	swait.ge [sflag:s23], $0x1  }
0xa3: {  	[sflag:s23] =	ssyncset.done $0x0  }
0xa4: {  	s25 =	simm.s32 $0x1B8E;
	s24 =	sld [smem:$0x3FFE];
	[sflag:s23] =	ssyncadd.s32 $0xFFFFFFFF  }
0xa5: {  	s26 =	simm.s32 $execute0_lowered;
	[smem:$0x3FD2] =	sst s25  }
0xa6: {  	s5 =	sshll.u32 s26, $0x1;
	_ =	strace $0x80000046;
	[dreg:$0x1] =	wrdreg $0xFFFFFFFF  }
0xa7: {  	s28 =	simm.s32 $_size_execute0_lowered;
	s3 =	sadd.s32 s3, s5;
	[dreg:$0x0] =	wrdreg $0x0  }
0xa8: {  	s5 =	sshll.u32 s28, $0x1;
	[dreg:$0x2] =	wrdreg s3  }
0xa9: {  	[dreg:$0x3] =	wrdreg s5  }
0xaa: {  	[dreg:$0x4] =	wrdreg $0xC0  }
0xab: {  	_ =	task [dreg:s7], $0x5FFFF  }
0xac: {  	[dreg:$0x1] =	wrdreg $0xFFFFFFFF  }
0xad: {  	[dreg:$0x0] =	wrdreg $0x60  }
0xae: {  	[dreg:$0x2] =	wrdreg s24  }
0xaf: {  	[dreg:$0x3] =	wrdreg s2  }
0xb0: {  	[dreg:$0x4] =	wrdreg $0x10800  }
0xb1: {  	[dreg:$0x5] =	wrdreg $0x9  }
0xb2: {  	_ =	task.clear_ibuf [dreg:s7], $0x6FFFF;
	_ =	strace $0x90000046  }
0xb3: {  	s29 =	simm.s32 $0x9;
	_ =	strace $0x80000048  }
0xb4: {  	_ =	swait.ge [sflag:s29], $0x1  }
0xb5: {  	[sflag:s29] =	ssyncadd.s32 $0xFFFFFFFF  }
0xb6: {  	_ =	strace $0x90000048  }
0xb7: {  	_ =	sfence  }
0xb8: {  	s30 =	sld [smem:$0x0];
	_ =	sdelay $0x2  }
0xb9: {  	s31 =	sshll.u32 s1, $0xD;
	s1 =	sshrl.u32 s1, $0x2  }
0xba: {  	s3 =	sand.u32 $0x4000, s31;
	s1 =	sadd.s32 s1, s30  }
0xbb: {  	s0 =	sor.u32 s3, s0;
	s1 =	sshll.u32 s1, $0x11  }
0xbc: {  	s0 =	sor.u32 s1, s0  }
0xbd: {  	s0 =	sadd.s32 $0x8F2B, s0  }
0xbe: {  	[sflag:s0] =	ssyncadd.remote.s32 $0x1  }
0xbf: {  	_ =	sfence.sel $0xFFFF  }
0xc0: {  	[dreg:$0x0] =	wrdreg $0xFFFFFFFF;
	(pc) =	sbr.abs _section_cstart, $3  }
0xc1: {  	[dreg:$0x1] =	wrdreg $0xFFFFFFFF  }
0xc2: {  	_ =	task.clear_ibuf [dreg:s7], $0x2FFFF;
	_ =	strace $0x9FFFFFFF  }
0xc3: {  	(tm) =	ssettm $0x7FFFFFFF  }
tec
execute0_lowered:
.L_overlay_start_1:
0x0: {  	(tag) =	ssettag $0x1  }
0x1: {  	s5 =	rddreg [dreg:$0x0]  }
0x2: {  	s1 =	rddreg [dreg:$0x1]  }
0x3: {  	s2 =	rddreg [dreg:$0x2]  }
0x4: {  	s0 =	rddreg [dreg:$0x3];
	s8 =	stileid.u32  }
0x5: {  	s4 =	srdreg.scid;
	s3 =	simm.s32 $0x0;
	s12 =	simm.s32 $0x0  }
0x6: {  	s6 =	smul.u32 $0x2720, s8;
	s4 =	sand.u32 $0x1, s4;
	[smem:$0x7FF] =	sst s3  }
0x7: {  	p0 =	sne.s32 s8, $0x0;
	s8 =	simm.s32 $0x80;
	s7 =	smul.u32 $0x28000, s4  }
0x8: {  	_ =	strace $0x80000047;
	s9 =	ssub.s32 $0x2, s4;
	s10 =	smul.u32 $0x1390, s4  }
0x9: {  	s4 =	sadd.s32 $0x29800, s5;
	s6 =	sadd.s32 s6, s5;
	s11 =	sshrl.u32 s9, $0x1  }
0xa: {  	s5 =	sadd.s32 s7, s5;
	s30 =	ssub.s32 s9, s11;
	s31 =	sadd.s32 s10, s6  }
0xb: {  	s9 =	simm.s32 $0x1;
	s10 =	sshrl.u32 @!p0 s2, $0x3;
	s11 =	simm.s32 $0x20  }
0xc: {  	s5 =	sadd.s32 $0x51800, s5;
	s6 =	smax.u32 s30, $0x1;
	s7 =	sadd.s32 $0x2600, s31  }
.LBB2_1:
0xd: {  	[tilespmem:s8], [sflag:$0x1] =	stream.linear.gather [hbm4b:s1+s3], $0x1000, $0x38;
	[tilespmem:$0x3880] =	vst v63  }
0xe: {  	_ =	swait.ge [sflag:s9], $0x1000  }
0xf: {  	[sflag:s9] =	ssyncset.done $0x0  }
0x10: {  	s13 =	simm.s32 @!p0 $0x1C01;
	[sflag:s9] =	ssyncadd.s32 $0xFFFFF000  }
0x11: {  	[spmem:s10], [sflag:s13] =	dma.local @!p0 [hbm:s4], $0x28000  }
0x12: {  	s13 =	simm.s32 @!p0 $0x1  }
0x13: {  	_ =	swait.ge @!p0 [sflag:s13], $0x28000  }
0x14: {  	[sflag:s13] =	ssyncset.done @!p0 $0x0  }
0x15: {  	[sflag:s13] =	ssyncadd.s32 @!p0 $0xFFFD8000  }
0x16: {  	s31 =	sadd.s32 $0x0, s7;
	[bflag:$0x0] =	sbarrier.arrive $0xFFFF  }
0x17: {  	[tilespmem:s3], [sflag:$0x1] =	stream.linear.gather [hbm4b:s31+s3], $0x80, $0x38;
	[tilespmem:$0x3880] =	vst v63  }
0x18: {  	_ =	swait.ge [sflag:s9], $0x80  }
0x19: {  	[sflag:s9] =	ssyncset.done $0x0  }
0x1a: {  	[sflag:s9] =	ssyncadd.s32 $0xFFFFFF80  }
0x1b: {  	[spmem:s2] =	stream.indirect.scatter.add.f32 [tilespmem:s8], [sflag:$0x1], $0x10, s3, s11, $0xb8;
	[tilespmem:$0x3880] =	vst v63  }
0x1c: {  	_ =	swait.ge [sflag:s9], $0x200  }
0x1d: {  	s14 =	simm.s32 $0x20;
	s13 =	simm.s32 $0x10;
	[sflag:s9] =	ssyncset.done $0x0  }
.LBB2_2:
0x1e: {  	s15 =	sadd.s32 s13, s7  }
0x1f: {  	[sflag:s9] =	ssyncadd.s32 $0xFFFFFE00;
	s13 =	smov.u32 s14;
	s16 =	sadd.s32 $0x10, s14  }
0x20: {  	[tilespmem:s3], [sflag:$0x1] =	stream.linear.gather [hbm4b:s15+s3], $0x80, $0x38;
	[tilespmem:$0x3880] =	vst v63  }
0x21: {  	p1 =	sne.s32 s14, $0x1380;
	_ =	swait.ge [sflag:s9], $0x80  }
.Ltmp0:
0x22: {  	[sflag:s9] =	ssyncset.done $0x0;
	(pc) =	sbr.rel @p1 .LBB2_2-.Ltmp0, $4  }
0x23: {  	[sflag:s9] =	ssyncadd.s32 $0xFFFFFF80  }
0x24: {  	[spmem:s2] =	stream.indirect.scatter.add.f32 [tilespmem:s8], [sflag:$0x1], $0x10, s3, s11, $0xb8;
	[tilespmem:$0x3880] =	vst v63  }
0x25: {  	_ =	swait.ge [sflag:s9], $0x200  }
0x26: {  	s14 =	smov.u32 s16;
	[sflag:s9] =	ssyncset.done $0x0  }
0x27: {  	s13 =	sadd.s32 s13, s7;
	[sflag:s9] =	ssyncadd.s32 $0xFFFFFE00  }
0x28: {  	[tilespmem:s3], [sflag:$0x1] =	stream.linear.gather [hbm4b:s13+s3], $0x80, $0x38;
	[tilespmem:$0x3880] =	vst v63  }
0x29: {  	_ =	swait.ge [sflag:s9], $0x80  }
0x2a: {  	[sflag:s9] =	ssyncset.done $0x0  }
0x2b: {  	[sflag:s9] =	ssyncadd.s32 $0xFFFFFF80  }
0x2c: {  	[spmem:s2] =	stream.indirect.scatter.add.f32 [tilespmem:s8], [sflag:$0x1], $0x10, s3, s11, $0xb8;
	[tilespmem:$0x3880] =	vst v63  }
0x2d: {  	_ =	swait.ge [sflag:s9], $0x200  }
0x2e: {  	[sflag:s9] =	ssyncset.done $0x0  }
0x2f: {  	s12 =	sadd.s32 $0x1, s12;
	[sflag:s9] =	ssyncadd.s32 $0xFFFFFE00  }
0x30: {  	s13 =	simm.s32 @!p0 $0x1C01;
	p1 =	sne.s32 s12, s6;
	[bflag:$0x0] =	sbarrier.arrive $0xFFFF  }
0x31: {  	[hbm:s5], [sflag:s13] =	dma.local @!p0 [spmem:s10], $0x28000  }
.Ltmp1:
0x32: {  	_ = 	snop;
	(pc) =	sbr.rel @p1 .LBB2_1-.Ltmp1, $4  }
0x33: {  	s13 =	simm.s32 @!p0 $0x1  }
0x34: {  	_ =	swait.ge @!p0 [sflag:s13], $0x28000  }
0x35: {  	[sflag:s13] =	ssyncset.done @!p0 $0x0  }
0x36: {  	[sflag:s13] =	ssyncadd.s32 @!p0 $0xFFFD8000  }
0x37: {  	_ =	sfence.sel $0x180000  }
0x38: {  	[bflag:$0x0] =	sbarrier.arrive $0xFFFF  }
0x39: {  	_ =	strace $0x90000047  }
0x3a: {  	s0 =	sadd.s32 @!p0 $0x100000, s0;
	[bflag:$0x2] =	sbarrier.arrive $0xFFFF  }
0x3b: {  	[sflag:s0] =	ssyncadd.tile.s32 @!p0 $0x1;
	_ =	shalt  }
.Lfunc_end2:
_tile_overlayer_lowered:
.L_overlay_start_2:
0x3c: {  	(tag) =	ssettag $0x2  }
0x3d: {  	s0 =	rddreg [dreg:$0x0];
	s2 =	stileid.u32  }
0x3e: {  	s1 =	rddreg [dreg:$0x1];
	p0 =	sne.s32 s2, $0x0  }
0x3f: {  	s3 =	rddreg [dreg:$0x2];
	[bflag:$0x3] =	sbarrier.arrive $0xFFFF;
	s2 =	simm.s32 @!p0 $0x1C01  }
0x40: {  	[timem:s3], [sflag:s2] =	dma.local @!p0 [hbm:s0], s1  }
0x41: {  	s0 =	simm.s32 @!p0 $0x1  }
0x42: {  	_ =	swait.ge @!p0 [sflag:s0], s1  }
0x43: {  	s1 =	ssub.s32 @!p0 $0x0, s1;
	[sflag:s0] =	ssyncset.done @!p0 $0x0  }
0x44: {  	[sflag:s0] =	ssyncadd.s32 @!p0 s1  }
0x45: {  	[bflag:$0x3] =	sbarrier.arrive $0xFFFF  }
0x46: {  	_ =	shalt  }

</sc_bundles>
